<compile_context>
chip_gen: v7x
topology: tpu7x:2x2x1
jax: 0.10.2.dev20260603
libtpu: 0.0.44.dev20260713+nightly
codegen_flags: <defaults>
</compile_context>

<pallas_src>
import jax
import jax.numpy as jnp
from jax import lax
from jax.experimental import pallas as pl
from jax.experimental.pallas import tpu as pltpu
from jax.experimental.pallas import tpu_sc as plsc

B, L, DIM = 4096, 50, 64
NL = B * L
NC, NS = 2, 16
NW = NC * NS
PER_W = NL // NW
TCH = 128
NCH = PER_W // TCH
NBUF = 5
FROWS = 100001


def _sc_gather_body(fidx_hbm, cidx_hbm, ftab_hbm, ctab_hbm, x_hbm,
                    ftmp, ctmp, fbuf, cbuf, fsems, csems):
    wid = lax.axis_index("s") * NC + lax.axis_index("c")
    tbase = wid * PER_W
    pltpu.sync_copy(fidx_hbm.at[pl.ds(tbase, PER_W)], ftmp)
    pltpu.sync_copy(cidx_hbm.at[pl.ds(tbase, PER_W)], ctmp)

    def gather(j, slot):
        jc = lax.min(j, NCH - 1)
        pltpu.async_copy(ftab_hbm.at[ftmp.at[pl.ds(jc * TCH, TCH)]],
                         fbuf.at[slot], fsems.at[slot])
        pltpu.async_copy(ctab_hbm.at[ctmp.at[pl.ds(jc * TCH, TCH)]],
                         cbuf.at[slot], csems.at[slot])

    def wait_write(j, slot):
        pltpu.make_async_copy(ftab_hbm.at[ftmp.at[pl.ds(0, TCH)]],
                              fbuf.at[slot], fsems.at[slot]).wait()
        pltpu.make_async_copy(ctab_hbm.at[ctmp.at[pl.ds(0, TCH)]],
                              cbuf.at[slot], csems.at[slot]).wait()
        row0 = tbase + j * TCH
        pltpu.sync_copy(fbuf.at[slot],
                        x_hbm.at[pl.ds(row0, TCH), pl.ds(0, DIM)])
        pltpu.sync_copy(cbuf.at[slot],
                        x_hbm.at[pl.ds(row0, TCH), pl.ds(DIM, DIM)])

    for s in range(NBUF):
        gather(s, s)

    def group(jj, carry):
        j0 = jj * NBUF
        for s in range(NBUF):
            wait_write(j0 + s, s)
            gather(j0 + s + NBUF, s)
        return carry

    lax.fori_loop(0, NCH // NBUF, group, 0)
    for slot in range(NBUF):
        pltpu.make_async_copy(ftab_hbm.at[ftmp.at[pl.ds(0, TCH)]],
                              fbuf.at[slot], fsems.at[slot]).wait()
        pltpu.make_async_copy(ctab_hbm.at[ctmp.at[pl.ds(0, TCH)]],
                              cbuf.at[slot], csems.at[slot]).wait()


def _sc_gather(fidx, cidx, ftab, ctab):
    return pl.kernel(
        _sc_gather_body,
        out_type=jax.ShapeDtypeStruct((NL, 2 * DIM), jnp.float32),
        mesh=plsc.VectorSubcoreMesh(core_axis_name="c", subcore_axis_name="s",
                                    num_cores=NC, num_subcores=NS),
        scratch_types=[
            pltpu.VMEM((PER_W,), jnp.int32),
            pltpu.VMEM((PER_W,), jnp.int32),
            pltpu.VMEM((NBUF, TCH, DIM), jnp.float32),
            pltpu.VMEM((NBUF, TCH, DIM), jnp.float32),
            pltpu.SemaphoreType.DMA((NBUF,)),
            pltpu.SemaphoreType.DMA((NBUF,)),
        ],
        compiler_params=pltpu.CompilerParams(use_tc_tiling_on_sc=False),
    )(fidx, cidx, ftab, ctab)


def _tc_mlp_body(x_ref, w1_ref, b1_ref, w2_ref, b2_ref, o_ref):
    x = x_ref[...]
    h = jnp.dot(x, w1_ref[...], preferred_element_type=jnp.float32)
    h = jnp.maximum(h + b1_ref[...], 0.0)
    y = (jnp.dot(h, w2_ref[...], preferred_element_type=jnp.float32)
         + b2_ref[...])
    o_ref[0] = jnp.transpose(y)


def _tc_mlp(x2, W1, b1, W2, b2, *, interpret=False):
    return pl.pallas_call(
        _tc_mlp_body,
        grid=(L,),
        in_specs=[
            pl.BlockSpec((B, 2 * DIM), lambda i: (i, 0)),
            pl.BlockSpec((2 * DIM, 2 * DIM), lambda i: (0, 0)),
            pl.BlockSpec((1, 2 * DIM), lambda i: (0, 0)),
            pl.BlockSpec((2 * DIM, DIM), lambda i: (0, 0)),
            pl.BlockSpec((1, DIM), lambda i: (0, 0)),
        ],
        out_specs=pl.BlockSpec((1, DIM, B), lambda i: (i, 0, 0)),
        out_shape=jax.ShapeDtypeStruct((L, DIM, B), jnp.float32),
        interpret=interpret,
    )(x2, W1, b1, W2, b2)


def kernel(fine_ids, coarse_ids, fine_table, coarse_table, W1, b1, W2, b2):
    fiT = fine_ids.astype(jnp.int32).T.reshape(NL) * 2
    ciT = coarse_ids.astype(jnp.int32).T.reshape(NL) * 2
    ftab_v = (jnp.zeros((100008, 2 * DIM), jnp.float32)
              .at[:FROWS, :DIM].set(fine_table).reshape(200016, DIM))
    ctab_v = jnp.pad(coarse_table, ((0, 7), (0, DIM))).reshape(2016, DIM)
    x2 = _sc_gather(fiT, ciT, ftab_v, ctab_v)
    outT = _tc_mlp(x2, W1, b1.reshape(1, 2 * DIM), W2, b2.reshape(1, DIM))
    return jnp.transpose(outT, (2, 0, 1)), jnp.float32(0.5)

# --- scband reference (transcript-rebuilt; emitter-appended) ---
"""Pipeline reference for scband-concat-project-hierarchical-embedding-14628658610592 (READ-ONLY COPY).

The authoritative reference and input builder live on the scoring server;
editing this copy changes nothing except your own understanding.
"""

import jax, jax.numpy as jnp
import numpy as np

FINE_VOCAB = 100000
COARSE_VOCAB = 1000
DIM = 64
B = 4096
L = 50


def setup_inputs(seed: int = 0) -> dict:
    key = jax.random.key(seed)
    ks = jax.random.split(key, 8)
    fine_ids = jax.random.randint(ks[0], (B, L), 0, FINE_VOCAB + 1)
    coarse_ids = jax.random.randint(ks[1], (B, L), 0, COARSE_VOCAB + 1)
    # xavier-uniform-like init for embedding tables
    fine_bound = float(np.sqrt(6.0 / (FINE_VOCAB + 1 + DIM)))
    coarse_bound = float(np.sqrt(6.0 / (COARSE_VOCAB + 1 + DIM)))
    fine_table = jax.random.uniform(ks[2], (FINE_VOCAB + 1, DIM), jnp.float32, -fine_bound, fine_bound)
    coarse_table = jax.random.uniform(ks[3], (COARSE_VOCAB + 1, DIM), jnp.float32, -coarse_bound, coarse_bound)
    # proj: Linear(2*dim, 2*dim) -> ReLU -> Linear(2*dim, dim); weights stored as (in, out)
    w1_bound = float(np.sqrt(1.0 / (2 * DIM)))
    W1 = jax.random.uniform(ks[4], (2 * DIM, 2 * DIM), jnp.float32, -w1_bound, w1_bound)
    b1 = jax.random.uniform(ks[5], (2 * DIM,), jnp.float32, -w1_bound, w1_bound)
    W2 = jax.random.uniform(ks[6], (2 * DIM, DIM), jnp.float32, -w1_bound, w1_bound)
    b2 = jax.random.uniform(ks[7], (DIM,), jnp.float32, -w1_bound, w1_bound)
    return {"fine_ids": fine_ids, "coarse_ids": coarse_ids, "fine_table": fine_table,
            "coarse_table": coarse_table, "W1": W1, "b1": b1, "W2": W2, "b2": b2}


def reference(fine_ids, coarse_ids, fine_table, coarse_table, W1, b1, W2, b2):
    fine = jnp.take(fine_table, fine_ids, axis=0)
    coarse = jnp.take(coarse_table, coarse_ids, axis=0)
    combined = jnp.concatenate([fine, coarse], axis=-1)
    h = jax.nn.relu(combined @ W1 + b1)
    out = h @ W2 + b2
    return (out, jnp.array(0.5, dtype=jnp.float32))

if __name__ == "__main__":
    import jax
    _d = setup_inputs()
    print(jax.jit(kernel)(*tuple(_d.values())))

</pallas_src>

<mosaic_0001>
#map = affine_map<(d0, d1) -> (0)>
#map1 = affine_map<(d0, d1) -> (0, 0)>
module attributes {stable_mosaic.version = 14 : i64} {
  func.func @_sc_gather_body(%arg0: i32, %arg1: i32, %arg2: memref<204800xi32, #tpu.memory_space<hbm>>, %arg3: memref<204800xi32, #tpu.memory_space<hbm>>, %arg4: memref<200016x64xf32, #tpu.memory_space<hbm>>, %arg5: memref<2016x64xf32, #tpu.memory_space<hbm>>, %arg6: memref<204800x128xf32, #tpu.memory_space<hbm>>, %arg7: memref<6400xi32, #tpu.memory_space<vmem>>, %arg8: memref<6400xi32, #tpu.memory_space<vmem>>, %arg9: memref<5x128x64xf32, #tpu.memory_space<vmem>>, %arg10: memref<5x128x64xf32, #tpu.memory_space<vmem>>, %arg11: memref<5x!tpu.dma_semaphore, #tpu.memory_space<semaphore_mem>>, %arg12: memref<5x!tpu.dma_semaphore, #tpu.memory_space<semaphore_mem>>) attributes {dimension_semantics = [#tpu.dimension_semantics<core_parallel>, #tpu.dimension_semantics<subcore_parallel>], iteration_bounds = array<i64: 2, 16>, scalar_prefetch = 0 : i64, scratch_operands = 6 : i64, tpu.core_type = #tpu.core_type<sc_vector_subcore>, window_params = [{transform_indices = #map}, {transform_indices = #map}, {transform_indices = #map1}, {transform_indices = #map1}, {transform_indices = #map1}]} {
    %mul3A = arith.constant 2 : i32
    %mul3A_0 = arith.muli %arg1, %mul3A : i32
    %add3A = arith.addi %mul3A_0, %arg0 : i32
    %mul3A_1 = arith.constant 6400 : i32
    %mul3A_2 = arith.muli %add3A, %mul3A_1 : i32
    "tpu.region"() ({
      %run_scoped3A = tpu.sem_alloc : memref<!tpu.dma_semaphore, #tpu.memory_space<semaphore_mem>>
      %dma_start3A_290 = tpu.memref_slice %arg2[%mul3A_2] : memref<204800xi32, #tpu.memory_space<hbm>> -> memref<6400xi32, #tpu.memory_space<hbm>>
      %dma_start3A_291 = tpu.memref_slice %arg2[%mul3A_2] : memref<204800xi32, #tpu.memory_space<hbm>> -> memref<6400xi32, #tpu.memory_space<hbm>>
      tpu.enqueue_dma source(%dma_start3A_291 : memref<6400xi32, #tpu.memory_space<hbm>>) target(%arg7 : memref<6400xi32, #tpu.memory_space<vmem>>) target_semaphore(%run_scoped3A : memref<!tpu.dma_semaphore, #tpu.memory_space<semaphore_mem>>)
      %dma_wait3A_292 = tpu.memref_slice %arg2[%mul3A_2] : memref<204800xi32, #tpu.memory_space<hbm>> -> memref<6400xi32, #tpu.memory_space<hbm>>
      %dma_wait3A_293 = tpu.memref_slice %arg2[%mul3A_2] : memref<204800xi32, #tpu.memory_space<hbm>> -> memref<6400xi32, #tpu.memory_space<hbm>>
      tpu.wait_dma2 semaphore(%run_scoped3A : memref<!tpu.dma_semaphore, #tpu.memory_space<semaphore_mem>>) src(%dma_wait3A_293 : memref<6400xi32, #tpu.memory_space<hbm>>) dst(%arg7 : memref<6400xi32, #tpu.memory_space<vmem>>)
      tpu.yield
    }) : () -> ()
    "tpu.region"() ({
      %run_scoped3A = tpu.sem_alloc : memref<!tpu.dma_semaphore, #tpu.memory_space<semaphore_mem>>
      %dma_start3A_290 = tpu.memref_slice %arg3[%mul3A_2] : memref<204800xi32, #tpu.memory_space<hbm>> -> memref<6400xi32, #tpu.memory_space<hbm>>
      %dma_start3A_291 = tpu.memref_slice %arg3[%mul3A_2] : memref<204800xi32, #tpu.memory_space<hbm>> -> memref<6400xi32, #tpu.memory_space<hbm>>
      tpu.enqueue_dma source(%dma_start3A_291 : memref<6400xi32, #tpu.memory_space<hbm>>) target(%arg8 : memref<6400xi32, #tpu.memory_space<vmem>>) target_semaphore(%run_scoped3A : memref<!tpu.dma_semaphore, #tpu.memory_space<semaphore_mem>>)
      %dma_wait3A_292 = tpu.memref_slice %arg3[%mul3A_2] : memref<204800xi32, #tpu.memory_space<hbm>> -> memref<6400xi32, #tpu.memory_space<hbm>>
      %dma_wait3A_293 = tpu.memref_slice %arg3[%mul3A_2] : memref<204800xi32, #tpu.memory_space<hbm>> -> memref<6400xi32, #tpu.memory_space<hbm>>
      tpu.wait_dma2 semaphore(%run_scoped3A : memref<!tpu.dma_semaphore, #tpu.memory_space<semaphore_mem>>) src(%dma_wait3A_293 : memref<6400xi32, #tpu.memory_space<hbm>>) dst(%arg8 : memref<6400xi32, #tpu.memory_space<vmem>>)
      tpu.yield
    }) : () -> ()
    %min3A = arith.constant 0 : i32
    %min3A_3 = arith.constant 49 : i32
    %min3A_4 = arith.minsi %min3A, %min3A_3 : i32
    %mul3A_5 = arith.constant 128 : i32
    %mul3A_6 = arith.muli %min3A_4, %mul3A_5 : i32
    %dma_start3A = arith.constant 0 : i32
    %dma_start3A_7 = arith.constant 0 : i32
    %dma_start3A_8 = arith.constant 0 : i32
    %dma_start3A_9 = arith.constant 0 : i32
    %dma_start3A_10 = tpu.memref_slice %arg9[%dma_start3A, %dma_start3A_8, %dma_start3A_9] : memref<5x128x64xf32, #tpu.memory_space<vmem>> -> memref<1x128x64xf32, #tpu.memory_space<vmem>>
    %dma_start3A_11 = tpu.memref_squeeze %dma_start3A_10 : memref<1x128x64xf32, #tpu.memory_space<vmem>> -> memref<128x64xf32, #tpu.memory_space<vmem>>
    %dma_start3A_12 = tpu.memref_slice %arg7[%mul3A_6] : memref<6400xi32, #tpu.memory_space<vmem>> -> memref<128xi32, #tpu.memory_space<vmem>>
    %dma_start3A_13 = arith.constant 0 : i32
    %dma_start3A_14 = arith.constant 0 : i32
    %dma_start3A_15 = tpu.memref_slice %arg4[%dma_start3A_13, %dma_start3A_14] : memref<200016x64xf32, #tpu.memory_space<hbm>> -> memref<200016x64xf32, #tpu.memory_space<hbm>>
    %dma_start3A_16 = tpu.memref_slice %arg11[%dma_start3A_7] : memref<5x!tpu.dma_semaphore, #tpu.memory_space<semaphore_mem>> -> memref<1x!tpu.dma_semaphore, #tpu.memory_space<semaphore_mem>>
    %dma_start3A_17 = tpu.memref_squeeze %dma_start3A_16 : memref<1x!tpu.dma_semaphore, #tpu.memory_space<semaphore_mem>> -> memref<!tpu.dma_semaphore, #tpu.memory_space<semaphore_mem>>
    tpu.enqueue_indirect_dma source(%dma_start3A_15 : memref<200016x64xf32, #tpu.memory_space<hbm>>) target(%dma_start3A_11 : memref<128x64xf32, #tpu.memory_space<vmem>>) offsets(%dma_start3A_12 : memref<128xi32, #tpu.memory_space<vmem>>) semaphore(%dma_start3A_17 : memref<!tpu.dma_semaphore, #tpu.memory_space<semaphore_mem>>)
    %mul3A_18 = arith.constant 128 : i32
    %mul3A_19 = arith.muli %min3A_4, %mul3A_18 : i32
    %dma_start3A_20 = arith.constant 0 : i32
    %dma_start3A_21 = arith.constant 0 : i32
    %dma_start3A_22 = arith.constant 0 : i32
    %dma_start3A_23 = arith.constant 0 : i32
    %dma_start3A_24 = tpu.memref_slice %arg10[%dma_start3A_20, %dma_start3A_22, %dma_start3A_23] : memref<5x128x64xf32, #tpu.memory_space<vmem>> -> memref<1x128x64xf32, #tpu.memory_space<vmem>>
    %dma_start3A_25 = tpu.memref_squeeze %dma_start3A_24 : memref<1x128x64xf32, #tpu.memory_space<vmem>> -> memref<128x64xf32, #tpu.memory_space<vmem>>
    %dma_start3A_26 = tpu.memref_slice %arg8[%mul3A_19] : memref<6400xi32, #tpu.memory_space<vmem>> -> memref<128xi32, #tpu.memory_space<vmem>>
    %dma_start3A_27 = arith.constant 0 : i32
    %dma_start3A_28 = arith.constant 0 : i32
    %dma_start3A_29 = tpu.memref_slice %arg5[%dma_start3A_27, %dma_start3A_28] : memref<2016x64xf32, #tpu.memory_space<hbm>> -> memref<2016x64xf32, #tpu.memory_space<hbm>>
    %dma_start3A_30 = tpu.memref_slice %arg12[%dma_start3A_21] : memref<5x!tpu.dma_semaphore, #tpu.memory_space<semaphore_mem>> -> memref<1x!tpu.dma_semaphore, #tpu.memory_space<semaphore_mem>>
    %dma_start3A_31 = tpu.memref_squeeze %dma_start3A_30 : memref<1x!tpu.dma_semaphore, #tpu.memory_space<semaphore_mem>> -> memref<!tpu.dma_semaphore, #tpu.memory_space<semaphore_mem>>
    tpu.enqueue_indirect_dma source(%dma_start3A_29 : memref<2016x64xf32, #tpu.memory_space<hbm>>) target(%dma_start3A_25 : memref<128x64xf32, #tpu.memory_space<vmem>>) offsets(%dma_start3A_26 : memref<128xi32, #tpu.memory_space<vmem>>) semaphore(%dma_start3A_31 : memref<!tpu.dma_semaphore, #tpu.memory_space<semaphore_mem>>)
    %min3A_32 = arith.constant 1 : i32
    %min3A_33 = arith.constant 49 : i32
    %min3A_34 = arith.minsi %min3A_32, %min3A_33 : i32
    %mul3A_35 = arith.constant 128 : i32
    %mul3A_36 = arith.muli %min3A_34, %mul3A_35 : i32
    %dma_start3A_37 = arith.constant 1 : i32
    %dma_start3A_38 = arith.constant 1 : i32
    %dma_start3A_39 = arith.constant 0 : i32
    %dma_start3A_40 = arith.constant 0 : i32
    %dma_start3A_41 = tpu.memref_slice %arg9[%dma_start3A_37, %dma_start3A_39, %dma_start3A_40] : memref<5x128x64xf32, #tpu.memory_space<vmem>> -> memref<1x128x64xf32, #tpu.memory_space<vmem>>
    %dma_start3A_42 = tpu.memref_squeeze %dma_start3A_41 : memref<1x128x64xf32, #tpu.memory_space<vmem>> -> memref<128x64xf32, #tpu.memory_space<vmem>>
    %dma_start3A_43 = tpu.memref_slice %arg7[%mul3A_36] : memref<6400xi32, #tpu.memory_space<vmem>> -> memref<128xi32, #tpu.memory_space<vmem>>
    %dma_start3A_44 = arith.constant 0 : i32
    %dma_start3A_45 = arith.constant 0 : i32
    %dma_start3A_46 = tpu.memref_slice %arg4[%dma_start3A_44, %dma_start3A_45] : memref<200016x64xf32, #tpu.memory_space<hbm>> -> memref<200016x64xf32, #tpu.memory_space<hbm>>
    %dma_start3A_47 = tpu.memref_slice %arg11[%dma_start3A_38] : memref<5x!tpu.dma_semaphore, #tpu.memory_space<semaphore_mem>> -> memref<1x!tpu.dma_semaphore, #tpu.memory_space<semaphore_mem>>
    %dma_start3A_48 = tpu.memref_squeeze %dma_start3A_47 : memref<1x!tpu.dma_semaphore, #tpu.memory_space<semaphore_mem>> -> memref<!tpu.dma_semaphore, #tpu.memory_space<semaphore_mem>>
    tpu.enqueue_indirect_dma source(%dma_start3A_46 : memref<200016x64xf32, #tpu.memory_space<hbm>>) target(%dma_start3A_42 : memref<128x64xf32, #tpu.memory_space<vmem>>) offsets(%dma_start3A_43 : memref<128xi32, #tpu.memory_space<vmem>>) semaphore(%dma_start3A_48 : memref<!tpu.dma_semaphore, #tpu.memory_space<semaphore_mem>>)
    %mul3A_49 = arith.constant 128 : i32
    %mul3A_50 = arith.muli %min3A_34, %mul3A_49 : i32
    %dma_start3A_51 = arith.constant 1 : i32
    %dma_start3A_52 = arith.constant 1 : i32
    %dma_start3A_53 = arith.constant 0 : i32
    %dma_start3A_54 = arith.constant 0 : i32
    %dma_start3A_55 = tpu.memref_slice %arg10[%dma_start3A_51, %dma_start3A_53, %dma_start3A_54] : memref<5x128x64xf32, #tpu.memory_space<vmem>> -> memref<1x128x64xf32, #tpu.memory_space<vmem>>
    %dma_start3A_56 = tpu.memref_squeeze %dma_start3A_55 : memref<1x128x64xf32, #tpu.memory_space<vmem>> -> memref<128x64xf32, #tpu.memory_space<vmem>>
    %dma_start3A_57 = tpu.memref_slice %arg8[%mul3A_50] : memref<6400xi32, #tpu.memory_space<vmem>> -> memref<128xi32, #tpu.memory_space<vmem>>
    %dma_start3A_58 = arith.constant 0 : i32
    %dma_start3A_59 = arith.constant 0 : i32
    %dma_start3A_60 = tpu.memref_slice %arg5[%dma_start3A_58, %dma_start3A_59] : memref<2016x64xf32, #tpu.memory_space<hbm>> -> memref<2016x64xf32, #tpu.memory_space<hbm>>
    %dma_start3A_61 = tpu.memref_slice %arg12[%dma_start3A_52] : memref<5x!tpu.dma_semaphore, #tpu.memory_space<semaphore_mem>> -> memref<1x!tpu.dma_semaphore, #tpu.memory_space<semaphore_mem>>
    %dma_start3A_62 = tpu.memref_squeeze %dma_start3A_61 : memref<1x!tpu.dma_semaphore, #tpu.memory_space<semaphore_mem>> -> memref<!tpu.dma_semaphore, #tpu.memory_space<semaphore_mem>>
    tpu.enqueue_indirect_dma source(%dma_start3A_60 : memref<2016x64xf32, #tpu.memory_space<hbm>>) target(%dma_start3A_56 : memref<128x64xf32, #tpu.memory_space<vmem>>) offsets(%dma_start3A_57 : memref<128xi32, #tpu.memory_space<vmem>>) semaphore(%dma_start3A_62 : memref<!tpu.dma_semaphore, #tpu.memory_space<semaphore_mem>>)
    %min3A_63 = arith.constant 2 : i32
    %min3A_64 = arith.constant 49 : i32
    %min3A_65 = arith.minsi %min3A_63, %min3A_64 : i32
    %mul3A_66 = arith.constant 128 : i32
    %mul3A_67 = arith.muli %min3A_65, %mul3A_66 : i32
    %dma_start3A_68 = arith.constant 2 : i32
    %dma_start3A_69 = arith.constant 2 : i32
    %dma_start3A_70 = arith.constant 0 : i32
    %dma_start3A_71 = arith.constant 0 : i32
    %dma_start3A_72 = tpu.memref_slice %arg9[%dma_start3A_68, %dma_start3A_70, %dma_start3A_71] : memref<5x128x64xf32, #tpu.memory_space<vmem>> -> memref<1x128x64xf32, #tpu.memory_space<vmem>>
    %dma_start3A_73 = tpu.memref_squeeze %dma_start3A_72 : memref<1x128x64xf32, #tpu.memory_space<vmem>> -> memref<128x64xf32, #tpu.memory_space<vmem>>
    %dma_start3A_74 = tpu.memref_slice %arg7[%mul3A_67] : memref<6400xi32, #tpu.memory_space<vmem>> -> memref<128xi32, #tpu.memory_space<vmem>>
    %dma_start3A_75 = arith.constant 0 : i32
    %dma_start3A_76 = arith.constant 0 : i32
    %dma_start3A_77 = tpu.memref_slice %arg4[%dma_start3A_75, %dma_start3A_76] : memref<200016x64xf32, #tpu.memory_space<hbm>> -> memref<200016x64xf32, #tpu.memory_space<hbm>>
    %dma_start3A_78 = tpu.memref_slice %arg11[%dma_start3A_69] : memref<5x!tpu.dma_semaphore, #tpu.memory_space<semaphore_mem>> -> memref<1x!tpu.dma_semaphore, #tpu.memory_space<semaphore_mem>>
    %dma_start3A_79 = tpu.memref_squeeze %dma_start3A_78 : memref<1x!tpu.dma_semaphore, #tpu.memory_space<semaphore_mem>> -> memref<!tpu.dma_semaphore, #tpu.memory_space<semaphore_mem>>
    tpu.enqueue_indirect_dma source(%dma_start3A_77 : memref<200016x64xf32, #tpu.memory_space<hbm>>) target(%dma_start3A_73 : memref<128x64xf32, #tpu.memory_space<vmem>>) offsets(%dma_start3A_74 : memref<128xi32, #tpu.memory_space<vmem>>) semaphore(%dma_start3A_79 : memref<!tpu.dma_semaphore, #tpu.memory_space<semaphore_mem>>)
    %mul3A_80 = arith.constant 128 : i32
    %mul3A_81 = arith.muli %min3A_65, %mul3A_80 : i32
    %dma_start3A_82 = arith.constant 2 : i32
    %dma_start3A_83 = arith.constant 2 : i32
    %dma_start3A_84 = arith.constant 0 : i32
    %dma_start3A_85 = arith.constant 0 : i32
    %dma_start3A_86 = tpu.memref_slice %arg10[%dma_start3A_82, %dma_start3A_84, %dma_start3A_85] : memref<5x128x64xf32, #tpu.memory_space<vmem>> -> memref<1x128x64xf32, #tpu.memory_space<vmem>>
    %dma_start3A_87 = tpu.memref_squeeze %dma_start3A_86 : memref<1x128x64xf32, #tpu.memory_space<vmem>> -> memref<128x64xf32, #tpu.memory_space<vmem>>
    %dma_start3A_88 = tpu.memref_slice %arg8[%mul3A_81] : memref<6400xi32, #tpu.memory_space<vmem>> -> memref<128xi32, #tpu.memory_space<vmem>>
    %dma_start3A_89 = arith.constant 0 : i32
    %dma_start3A_90 = arith.constant 0 : i32
    %dma_start3A_91 = tpu.memref_slice %arg5[%dma_start3A_89, %dma_start3A_90] : memref<2016x64xf32, #tpu.memory_space<hbm>> -> memref<2016x64xf32, #tpu.memory_space<hbm>>
    %dma_start3A_92 = tpu.memref_slice %arg12[%dma_start3A_83] : memref<5x!tpu.dma_semaphore, #tpu.memory_space<semaphore_mem>> -> memref<1x!tpu.dma_semaphore, #tpu.memory_space<semaphore_mem>>
    %dma_start3A_93 = tpu.memref_squeeze %dma_start3A_92 : memref<1x!tpu.dma_semaphore, #tpu.memory_space<semaphore_mem>> -> memref<!tpu.dma_semaphore, #tpu.memory_space<semaphore_mem>>
    tpu.enqueue_indirect_dma source(%dma_start3A_91 : memref<2016x64xf32, #tpu.memory_space<hbm>>) target(%dma_start3A_87 : memref<128x64xf32, #tpu.memory_space<vmem>>) offsets(%dma_start3A_88 : memref<128xi32, #tpu.memory_space<vmem>>) semaphore(%dma_start3A_93 : memref<!tpu.dma_semaphore, #tpu.memory_space<semaphore_mem>>)
    %min3A_94 = arith.constant 3 : i32
    %min3A_95 = arith.constant 49 : i32
    %min3A_96 = arith.minsi %min3A_94, %min3A_95 : i32
    %mul3A_97 = arith.constant 128 : i32
    %mul3A_98 = arith.muli %min3A_96, %mul3A_97 : i32
    %dma_start3A_99 = arith.constant 3 : i32
    %dma_start3A_100 = arith.constant 3 : i32
    %dma_start3A_101 = arith.constant 0 : i32
    %dma_start3A_102 = arith.constant 0 : i32
    %dma_start3A_103 = tpu.memref_slice %arg9[%dma_start3A_99, %dma_start3A_101, %dma_start3A_102] : memref<5x128x64xf32, #tpu.memory_space<vmem>> -> memref<1x128x64xf32, #tpu.memory_space<vmem>>
    %dma_start3A_104 = tpu.memref_squeeze %dma_start3A_103 : memref<1x128x64xf32, #tpu.memory_space<vmem>> -> memref<128x64xf32, #tpu.memory_space<vmem>>
    %dma_start3A_105 = tpu.memref_slice %arg7[%mul3A_98] : memref<6400xi32, #tpu.memory_space<vmem>> -> memref<128xi32, #tpu.memory_space<vmem>>
    %dma_start3A_106 = arith.constant 0 : i32
    %dma_start3A_107 = arith.constant 0 : i32
    %dma_start3A_108 = tpu.memref_slice %arg4[%dma_start3A_106, %dma_start3A_107] : memref<200016x64xf32, #tpu.memory_space<hbm>> -> memref<200016x64xf32, #tpu.memory_space<hbm>>
    %dma_start3A_109 = tpu.memref_slice %arg11[%dma_start3A_100] : memref<5x!tpu.dma_semaphore, #tpu.memory_space<semaphore_mem>> -> memref<1x!tpu.dma_semaphore, #tpu.memory_space<semaphore_mem>>
    %dma_start3A_110 = tpu.memref_squeeze %dma_start3A_109 : memref<1x!tpu.dma_semaphore, #tpu.memory_space<semaphore_mem>> -> memref<!tpu.dma_semaphore, #tpu.memory_space<semaphore_mem>>
    tpu.enqueue_indirect_dma source(%dma_start3A_108 : memref<200016x64xf32, #tpu.memory_space<hbm>>) target(%dma_start3A_104 : memref<128x64xf32, #tpu.memory_space<vmem>>) offsets(%dma_start3A_105 : memref<128xi32, #tpu.memory_space<vmem>>) semaphore(%dma_start3A_110 : memref<!tpu.dma_semaphore, #tpu.memory_space<semaphore_mem>>)
    %mul3A_111 = arith.constant 128 : i32
    %mul3A_112 = arith.muli %min3A_96, %mul3A_111 : i32
    %dma_start3A_113 = arith.constant 3 : i32
    %dma_start3A_114 = arith.constant 3 : i32
    %dma_start3A_115 = arith.constant 0 : i32
    %dma_start3A_116 = arith.constant 0 : i32
    %dma_start3A_117 = tpu.memref_slice %arg10[%dma_start3A_113, %dma_start3A_115, %dma_start3A_116] : memref<5x128x64xf32, #tpu.memory_space<vmem>> -> memref<1x128x64xf32, #tpu.memory_space<vmem>>
    %dma_start3A_118 = tpu.memref_squeeze %dma_start3A_117 : memref<1x128x64xf32, #tpu.memory_space<vmem>> -> memref<128x64xf32, #tpu.memory_space<vmem>>
    %dma_start3A_119 = tpu.memref_slice %arg8[%mul3A_112] : memref<6400xi32, #tpu.memory_space<vmem>> -> memref<128xi32, #tpu.memory_space<vmem>>
    %dma_start3A_120 = arith.constant 0 : i32
    %dma_start3A_121 = arith.constant 0 : i32
    %dma_start3A_122 = tpu.memref_slice %arg5[%dma_start3A_120, %dma_start3A_121] : memref<2016x64xf32, #tpu.memory_space<hbm>> -> memref<2016x64xf32, #tpu.memory_space<hbm>>
    %dma_start3A_123 = tpu.memref_slice %arg12[%dma_start3A_114] : memref<5x!tpu.dma_semaphore, #tpu.memory_space<semaphore_mem>> -> memref<1x!tpu.dma_semaphore, #tpu.memory_space<semaphore_mem>>
    %dma_start3A_124 = tpu.memref_squeeze %dma_start3A_123 : memref<1x!tpu.dma_semaphore, #tpu.memory_space<semaphore_mem>> -> memref<!tpu.dma_semaphore, #tpu.memory_space<semaphore_mem>>
    tpu.enqueue_indirect_dma source(%dma_start3A_122 : memref<2016x64xf32, #tpu.memory_space<hbm>>) target(%dma_start3A_118 : memref<128x64xf32, #tpu.memory_space<vmem>>) offsets(%dma_start3A_119 : memref<128xi32, #tpu.memory_space<vmem>>) semaphore(%dma_start3A_124 : memref<!tpu.dma_semaphore, #tpu.memory_space<semaphore_mem>>)
    %min3A_125 = arith.constant 4 : i32
    %min3A_126 = arith.constant 49 : i32
    %min3A_127 = arith.minsi %min3A_125, %min3A_126 : i32
    %mul3A_128 = arith.constant 128 : i32
    %mul3A_129 = arith.muli %min3A_127, %mul3A_128 : i32
    %dma_start3A_130 = arith.constant 4 : i32
    %dma_start3A_131 = arith.constant 4 : i32
    %dma_start3A_132 = arith.constant 0 : i32
    %dma_start3A_133 = arith.constant 0 : i32
    %dma_start3A_134 = tpu.memref_slice %arg9[%dma_start3A_130, %dma_start3A_132, %dma_start3A_133] : memref<5x128x64xf32, #tpu.memory_space<vmem>> -> memref<1x128x64xf32, #tpu.memory_space<vmem>>
    %dma_start3A_135 = tpu.memref_squeeze %dma_start3A_134 : memref<1x128x64xf32, #tpu.memory_space<vmem>> -> memref<128x64xf32, #tpu.memory_space<vmem>>
    %dma_start3A_136 = tpu.memref_slice %arg7[%mul3A_129] : memref<6400xi32, #tpu.memory_space<vmem>> -> memref<128xi32, #tpu.memory_space<vmem>>
    %dma_start3A_137 = arith.constant 0 : i32
    %dma_start3A_138 = arith.constant 0 : i32
    %dma_start3A_139 = tpu.memref_slice %arg4[%dma_start3A_137, %dma_start3A_138] : memref<200016x64xf32, #tpu.memory_space<hbm>> -> memref<200016x64xf32, #tpu.memory_space<hbm>>
    %dma_start3A_140 = tpu.memref_slice %arg11[%dma_start3A_131] : memref<5x!tpu.dma_semaphore, #tpu.memory_space<semaphore_mem>> -> memref<1x!tpu.dma_semaphore, #tpu.memory_space<semaphore_mem>>
    %dma_start3A_141 = tpu.memref_squeeze %dma_start3A_140 : memref<1x!tpu.dma_semaphore, #tpu.memory_space<semaphore_mem>> -> memref<!tpu.dma_semaphore, #tpu.memory_space<semaphore_mem>>
    tpu.enqueue_indirect_dma source(%dma_start3A_139 : memref<200016x64xf32, #tpu.memory_space<hbm>>) target(%dma_start3A_135 : memref<128x64xf32, #tpu.memory_space<vmem>>) offsets(%dma_start3A_136 : memref<128xi32, #tpu.memory_space<vmem>>) semaphore(%dma_start3A_141 : memref<!tpu.dma_semaphore, #tpu.memory_space<semaphore_mem>>)
    %mul3A_142 = arith.constant 128 : i32
    %mul3A_143 = arith.muli %min3A_127, %mul3A_142 : i32
    %dma_start3A_144 = arith.constant 4 : i32
    %dma_start3A_145 = arith.constant 4 : i32
    %dma_start3A_146 = arith.constant 0 : i32
    %dma_start3A_147 = arith.constant 0 : i32
    %dma_start3A_148 = tpu.memref_slice %arg10[%dma_start3A_144, %dma_start3A_146, %dma_start3A_147] : memref<5x128x64xf32, #tpu.memory_space<vmem>> -> memref<1x128x64xf32, #tpu.memory_space<vmem>>
    %dma_start3A_149 = tpu.memref_squeeze %dma_start3A_148 : memref<1x128x64xf32, #tpu.memory_space<vmem>> -> memref<128x64xf32, #tpu.memory_space<vmem>>
    %dma_start3A_150 = tpu.memref_slice %arg8[%mul3A_143] : memref<6400xi32, #tpu.memory_space<vmem>> -> memref<128xi32, #tpu.memory_space<vmem>>
    %dma_start3A_151 = arith.constant 0 : i32
    %dma_start3A_152 = arith.constant 0 : i32
    %dma_start3A_153 = tpu.memref_slice %arg5[%dma_start3A_151, %dma_start3A_152] : memref<2016x64xf32, #tpu.memory_space<hbm>> -> memref<2016x64xf32, #tpu.memory_space<hbm>>
    %dma_start3A_154 = tpu.memref_slice %arg12[%dma_start3A_145] : memref<5x!tpu.dma_semaphore, #tpu.memory_space<semaphore_mem>> -> memref<1x!tpu.dma_semaphore, #tpu.memory_space<semaphore_mem>>
    %dma_start3A_155 = tpu.memref_squeeze %dma_start3A_154 : memref<1x!tpu.dma_semaphore, #tpu.memory_space<semaphore_mem>> -> memref<!tpu.dma_semaphore, #tpu.memory_space<semaphore_mem>>
    tpu.enqueue_indirect_dma source(%dma_start3A_153 : memref<2016x64xf32, #tpu.memory_space<hbm>>) target(%dma_start3A_149 : memref<128x64xf32, #tpu.memory_space<vmem>>) offsets(%dma_start3A_150 : memref<128xi32, #tpu.memory_space<vmem>>) semaphore(%dma_start3A_155 : memref<!tpu.dma_semaphore, #tpu.memory_space<semaphore_mem>>)
    %scan3A = arith.constant 0 : i32
    %scan3A_156 = arith.constant 0 : i32
    %scan3A_157 = arith.constant 10 : i32
    %scan3A_158 = arith.addi %scan3A_156, %scan3A_157 : i32
    %scan3A_159 = arith.constant 1 : i32
    scf.for %scan3A_290 = %scan3A_156 to %scan3A_158 step %scan3A_159  : i32 {
      %mul3A_291 = arith.constant 5 : i32
      %mul3A_292 = arith.muli %scan3A_290, %mul3A_291 : i32
      %add3A_293 = arith.constant 0 : i32
      %add3A_294 = arith.addi %mul3A_292, %add3A_293 : i32
      %dma_wait3A_295 = arith.constant 0 : i32
      %dma_wait3A_296 = arith.constant 0 : i32
      %dma_wait3A_297 = arith.constant 0 : i32
      %dma_wait3A_298 = arith.constant 0 : i32
      %dma_wait3A_299 = tpu.memref_slice %arg9[%dma_wait3A_295, %dma_wait3A_297, %dma_wait3A_298] : memref<5x128x64xf32, #tpu.memory_space<vmem>> -> memref<1x128x64xf32, #tpu.memory_space<vmem>>
      %dma_wait3A_300 = tpu.memref_squeeze %dma_wait3A_299 : memref<1x128x64xf32, #tpu.memory_space<vmem>> -> memref<128x64xf32, #tpu.memory_space<vmem>>
      %dma_wait3A_301 = arith.constant 0 : i32
      %dma_wait3A_302 = tpu.memref_slice %arg7[%dma_wait3A_301] : memref<6400xi32, #tpu.memory_space<vmem>> -> memref<128xi32, #tpu.memory_space<vmem>>
      %dma_wait3A_303 = arith.constant 0 : i32
      %dma_wait3A_304 = arith.constant 0 : i32
      %dma_wait3A_305 = tpu.memref_slice %arg4[%dma_wait3A_303, %dma_wait3A_304] : memref<200016x64xf32, #tpu.memory_space<hbm>> -> memref<200016x64xf32, #tpu.memory_space<hbm>>
      %dma_wait3A_306 = tpu.memref_slice %arg11[%dma_wait3A_296] : memref<5x!tpu.dma_semaphore, #tpu.memory_space<semaphore_mem>> -> memref<1x!tpu.dma_semaphore, #tpu.memory_space<semaphore_mem>>
      %dma_wait3A_307 = tpu.memref_squeeze %dma_wait3A_306 : memref<1x!tpu.dma_semaphore, #tpu.memory_space<semaphore_mem>> -> memref<!tpu.dma_semaphore, #tpu.memory_space<semaphore_mem>>
      tpu.wait_indirect_dma semaphore(%dma_wait3A_307 : memref<!tpu.dma_semaphore, #tpu.memory_space<semaphore_mem>>) src(%dma_wait3A_305 : memref<200016x64xf32, #tpu.memory_space<hbm>>) dst(%dma_wait3A_300 : memref<128x64xf32, #tpu.memory_space<vmem>>)
      %dma_wait3A_308 = arith.constant 0 : i32
      %dma_wait3A_309 = arith.constant 0 : i32
      %dma_wait3A_310 = arith.constant 0 : i32
      %dma_wait3A_311 = arith.constant 0 : i32
      %dma_wait3A_312 = tpu.memref_slice %arg10[%dma_wait3A_308, %dma_wait3A_310, %dma_wait3A_311] : memref<5x128x64xf32, #tpu.memory_space<vmem>> -> memref<1x128x64xf32, #tpu.memory_space<vmem>>
      %dma_wait3A_313 = tpu.memref_squeeze %dma_wait3A_312 : memref<1x128x64xf32, #tpu.memory_space<vmem>> -> memref<128x64xf32, #tpu.memory_space<vmem>>
      %dma_wait3A_314 = arith.constant 0 : i32
      %dma_wait3A_315 = tpu.memref_slice %arg8[%dma_wait3A_314] : memref<6400xi32, #tpu.memory_space<vmem>> -> memref<128xi32, #tpu.memory_space<vmem>>
      %dma_wait3A_316 = arith.constant 0 : i32
      %dma_wait3A_317 = arith.constant 0 : i32
      %dma_wait3A_318 = tpu.memref_slice %arg5[%dma_wait3A_316, %dma_wait3A_317] : memref<2016x64xf32, #tpu.memory_space<hbm>> -> memref<2016x64xf32, #tpu.memory_space<hbm>>
      %dma_wait3A_319 = tpu.memref_slice %arg12[%dma_wait3A_309] : memref<5x!tpu.dma_semaphore, #tpu.memory_space<semaphore_mem>> -> memref<1x!tpu.dma_semaphore, #tpu.memory_space<semaphore_mem>>
      %dma_wait3A_320 = tpu.memref_squeeze %dma_wait3A_319 : memref<1x!tpu.dma_semaphore, #tpu.memory_space<semaphore_mem>> -> memref<!tpu.dma_semaphore, #tpu.memory_space<semaphore_mem>>
      tpu.wait_indirect_dma semaphore(%dma_wait3A_320 : memref<!tpu.dma_semaphore, #tpu.memory_space<semaphore_mem>>) src(%dma_wait3A_318 : memref<2016x64xf32, #tpu.memory_space<hbm>>) dst(%dma_wait3A_313 : memref<128x64xf32, #tpu.memory_space<vmem>>)
      %mul3A_321 = arith.constant 128 : i32
      %mul3A_322 = arith.muli %add3A_294, %mul3A_321 : i32
      %add3A_323 = arith.addi %mul3A_2, %mul3A_322 : i32
      %run_scoped3A = arith.constant 0 : i32
      "tpu.region"() ({
        %run_scoped3A_627 = tpu.sem_alloc : memref<!tpu.dma_semaphore, #tpu.memory_space<semaphore_mem>>
        %dma_start3A_628 = arith.constant 0 : i32
        %dma_start3A_629 = arith.constant 0 : i32
        %dma_start3A_630 = tpu.memref_slice %arg9[%run_scoped3A, %dma_start3A_628, %dma_start3A_629] : memref<5x128x64xf32, #tpu.memory_space<vmem>> -> memref<1x128x64xf32, #tpu.memory_space<vmem>>
        %dma_start3A_631 = tpu.memref_squeeze %dma_start3A_630 : memref<1x128x64xf32, #tpu.memory_space<vmem>> -> memref<128x64xf32, #tpu.memory_space<vmem>>
        %dma_start3A_632 = arith.constant 0 : i32
        %dma_start3A_633 = tpu.memref_slice %arg6[%add3A_323, %dma_start3A_632] : memref<204800x128xf32, #tpu.memory_space<hbm>> -> memref<128x64xf32, #tpu.memory_space<hbm>>
        %dma_start3A_634 = arith.constant 0 : i32
        %dma_start3A_635 = tpu.memref_slice %arg6[%add3A_323, %dma_start3A_634] : memref<204800x128xf32, #tpu.memory_space<hbm>> -> memref<128x64xf32, #tpu.memory_space<hbm>>
        %dma_start3A_636 = arith.constant 0 : i32
        %dma_start3A_637 = arith.constant 0 : i32
        %dma_start3A_638 = tpu.memref_slice %arg9[%run_scoped3A, %dma_start3A_636, %dma_start3A_637] : memref<5x128x64xf32, #tpu.memory_space<vmem>> -> memref<1x128x64xf32, #tpu.memory_space<vmem>>
        %dma_start3A_639 = tpu.memref_squeeze %dma_start3A_638 : memref<1x128x64xf32, #tpu.memory_space<vmem>> -> memref<128x64xf32, #tpu.memory_space<vmem>>
        tpu.enqueue_dma source(%dma_start3A_639 : memref<128x64xf32, #tpu.memory_space<vmem>>) target(%dma_start3A_635 : memref<128x64xf32, #tpu.memory_space<hbm>>) target_semaphore(%run_scoped3A_627 : memref<!tpu.dma_semaphore, #tpu.memory_space<semaphore_mem>>)
        %dma_wait3A_640 = arith.constant 0 : i32
        %dma_wait3A_641 = arith.constant 0 : i32
        %dma_wait3A_642 = tpu.memref_slice %arg9[%run_scoped3A, %dma_wait3A_640, %dma_wait3A_641] : memref<5x128x64xf32, #tpu.memory_space<vmem>> -> memref<1x128x64xf32, #tpu.memory_space<vmem>>
        %dma_wait3A_643 = tpu.memref_squeeze %dma_wait3A_642 : memref<1x128x64xf32, #tpu.memory_space<vmem>> -> memref<128x64xf32, #tpu.memory_space<vmem>>
        %dma_wait3A_644 = arith.constant 0 : i32
        %dma_wait3A_645 = tpu.memref_slice %arg6[%add3A_323, %dma_wait3A_644] : memref<204800x128xf32, #tpu.memory_space<hbm>> -> memref<128x64xf32, #tpu.memory_space<hbm>>
        %dma_wait3A_646 = arith.constant 0 : i32
        %dma_wait3A_647 = tpu.memref_slice %arg6[%add3A_323, %dma_wait3A_646] : memref<204800x128xf32, #tpu.memory_space<hbm>> -> memref<128x64xf32, #tpu.memory_space<hbm>>
        %dma_wait3A_648 = arith.constant 0 : i32
        %dma_wait3A_649 = arith.constant 0 : i32
        %dma_wait3A_650 = tpu.memref_slice %arg9[%run_scoped3A, %dma_wait3A_648, %dma_wait3A_649] : memref<5x128x64xf32, #tpu.memory_space<vmem>> -> memref<1x128x64xf32, #tpu.memory_space<vmem>>
        %dma_wait3A_651 = tpu.memref_squeeze %dma_wait3A_650 : memref<1x128x64xf32, #tpu.memory_space<vmem>> -> memref<128x64xf32, #tpu.memory_space<vmem>>
        tpu.wait_dma2 semaphore(%run_scoped3A_627 : memref<!tpu.dma_semaphore, #tpu.memory_space<semaphore_mem>>) src(%dma_wait3A_651 : memref<128x64xf32, #tpu.memory_space<vmem>>) dst(%dma_wait3A_647 : memref<128x64xf32, #tpu.memory_space<hbm>>)
        tpu.yield
      }) : () -> ()
      %run_scoped3A_324 = arith.constant 0 : i32
      "tpu.region"() ({
        %run_scoped3A_627 = tpu.sem_alloc : memref<!tpu.dma_semaphore, #tpu.memory_space<semaphore_mem>>
        %dma_start3A_628 = arith.constant 0 : i32
        %dma_start3A_629 = arith.constant 0 : i32
        %dma_start3A_630 = tpu.memref_slice %arg10[%run_scoped3A_324, %dma_start3A_628, %dma_start3A_629] : memref<5x128x64xf32, #tpu.memory_space<vmem>> -> memref<1x128x64xf32, #tpu.memory_space<vmem>>
        %dma_start3A_631 = tpu.memref_squeeze %dma_start3A_630 : memref<1x128x64xf32, #tpu.memory_space<vmem>> -> memref<128x64xf32, #tpu.memory_space<vmem>>
        %dma_start3A_632 = arith.constant 64 : i32
        %dma_start3A_633 = tpu.memref_slice %arg6[%add3A_323, %dma_start3A_632] : memref<204800x128xf32, #tpu.memory_space<hbm>> -> memref<128x64xf32, #tpu.memory_space<hbm>>
        %dma_start3A_634 = arith.constant 64 : i32
        %dma_start3A_635 = tpu.memref_slice %arg6[%add3A_323, %dma_start3A_634] : memref<204800x128xf32, #tpu.memory_space<hbm>> -> memref<128x64xf32, #tpu.memory_space<hbm>>
        %dma_start3A_636 = arith.constant 0 : i32
        %dma_start3A_637 = arith.constant 0 : i32
        %dma_start3A_638 = tpu.memref_slice %arg10[%run_scoped3A_324, %dma_start3A_636, %dma_start3A_637] : memref<5x128x64xf32, #tpu.memory_space<vmem>> -> memref<1x128x64xf32, #tpu.memory_space<vmem>>
        %dma_start3A_639 = tpu.memref_squeeze %dma_start3A_638 : memref<1x128x64xf32, #tpu.memory_space<vmem>> -> memref<128x64xf32, #tpu.memory_space<vmem>>
        tpu.enqueue_dma source(%dma_start3A_639 : memref<128x64xf32, #tpu.memory_space<vmem>>) target(%dma_start3A_635 : memref<128x64xf32, #tpu.memory_space<hbm>>) target_semaphore(%run_scoped3A_627 : memref<!tpu.dma_semaphore, #tpu.memory_space<semaphore_mem>>)
        %dma_wait3A_640 = arith.constant 0 : i32
        %dma_wait3A_641 = arith.constant 0 : i32
        %dma_wait3A_642 = tpu.memref_slice %arg10[%run_scoped3A_324, %dma_wait3A_640, %dma_wait3A_641] : memref<5x128x64xf32, #tpu.memory_space<vmem>> -> memref<1x128x64xf32, #tpu.memory_space<vmem>>
        %dma_wait3A_643 = tpu.memref_squeeze %dma_wait3A_642 : memref<1x128x64xf32, #tpu.memory_space<vmem>> -> memref<128x64xf32, #tpu.memory_space<vmem>>
        %dma_wait3A_644 = arith.constant 64 : i32
        %dma_wait3A_645 = tpu.memref_slice %arg6[%add3A_323, %dma_wait3A_644] : memref<204800x128xf32, #tpu.memory_space<hbm>> -> memref<128x64xf32, #tpu.memory_space<hbm>>
        %dma_wait3A_646 = arith.constant 64 : i32
        %dma_wait3A_647 = tpu.memref_slice %arg6[%add3A_323, %dma_wait3A_646] : memref<204800x128xf32, #tpu.memory_space<hbm>> -> memref<128x64xf32, #tpu.memory_space<hbm>>
        %dma_wait3A_648 = arith.constant 0 : i32
        %dma_wait3A_649 = arith.constant 0 : i32
        %dma_wait3A_650 = tpu.memref_slice %arg10[%run_scoped3A_324, %dma_wait3A_648, %dma_wait3A_649] : memref<5x128x64xf32, #tpu.memory_space<vmem>> -> memref<1x128x64xf32, #tpu.memory_space<vmem>>
        %dma_wait3A_651 = tpu.memref_squeeze %dma_wait3A_650 : memref<1x128x64xf32, #tpu.memory_space<vmem>> -> memref<128x64xf32, #tpu.memory_space<vmem>>
        tpu.wait_dma2 semaphore(%run_scoped3A_627 : memref<!tpu.dma_semaphore, #tpu.memory_space<semaphore_mem>>) src(%dma_wait3A_651 : memref<128x64xf32, #tpu.memory_space<vmem>>) dst(%dma_wait3A_647 : memref<128x64xf32, #tpu.memory_space<hbm>>)
        tpu.yield
      }) : () -> ()
      %add3A_325 = arith.constant 0 : i32
      %add3A_326 = arith.addi %mul3A_292, %add3A_325 : i32
      %add3A_327 = arith.constant 5 : i32
      %add3A_328 = arith.addi %add3A_326, %add3A_327 : i32
      %min3A_329 = arith.constant 49 : i32
      %min3A_330 = arith.minsi %add3A_328, %min3A_329 : i32
      %mul3A_331 = arith.constant 128 : i32
      %mul3A_332 = arith.muli %min3A_330, %mul3A_331 : i32
      %dma_start3A_333 = arith.constant 0 : i32
      %dma_start3A_334 = arith.constant 0 : i32
      %dma_start3A_335 = arith.constant 0 : i32
      %dma_start3A_336 = arith.constant 0 : i32
      %dma_start3A_337 = tpu.memref_slice %arg9[%dma_start3A_333, %dma_start3A_335, %dma_start3A_336] : memref<5x128x64xf32, #tpu.memory_space<vmem>> -> memref<1x128x64xf32, #tpu.memory_space<vmem>>
      %dma_start3A_338 = tpu.memref_squeeze %dma_start3A_337 : memref<1x128x64xf32, #tpu.memory_space<vmem>> -> memref<128x64xf32, #tpu.memory_space<vmem>>
      %dma_start3A_339 = tpu.memref_slice %arg7[%mul3A_332] : memref<6400xi32, #tpu.memory_space<vmem>> -> memref<128xi32, #tpu.memory_space<vmem>>
      %dma_start3A_340 = arith.constant 0 : i32
      %dma_start3A_341 = arith.constant 0 : i32
      %dma_start3A_342 = tpu.memref_slice %arg4[%dma_start3A_340, %dma_start3A_341] : memref<200016x64xf32, #tpu.memory_space<hbm>> -> memref<200016x64xf32, #tpu.memory_space<hbm>>
      %dma_start3A_343 = tpu.memref_slice %arg11[%dma_start3A_334] : memref<5x!tpu.dma_semaphore, #tpu.memory_space<semaphore_mem>> -> memref<1x!tpu.dma_semaphore, #tpu.memory_space<semaphore_mem>>
      %dma_start3A_344 = tpu.memref_squeeze %dma_start3A_343 : memref<1x!tpu.dma_semaphore, #tpu.memory_space<semaphore_mem>> -> memref<!tpu.dma_semaphore, #tpu.memory_space<semaphore_mem>>
      tpu.enqueue_indirect_dma source(%dma_start3A_342 : memref<200016x64xf32, #tpu.memory_space<hbm>>) target(%dma_start3A_338 : memref<128x64xf32, #tpu.memory_space<vmem>>) offsets(%dma_start3A_339 : memref<128xi32, #tpu.memory_space<vmem>>) semaphore(%dma_start3A_344 : memref<!tpu.dma_semaphore, #tpu.memory_space<semaphore_mem>>)
      %mul3A_345 = arith.constant 128 : i32
      %mul3A_346 = arith.muli %min3A_330, %mul3A_345 : i32
      %dma_start3A_347 = arith.constant 0 : i32
      %dma_start3A_348 = arith.constant 0 : i32
      %dma_start3A_349 = arith.constant 0 : i32
      %dma_start3A_350 = arith.constant 0 : i32
      %dma_start3A_351 = tpu.memref_slice %arg10[%dma_start3A_347, %dma_start3A_349, %dma_start3A_350] : memref<5x128x64xf32, #tpu.memory_space<vmem>> -> memref<1x128x64xf32, #tpu.memory_space<vmem>>
      %dma_start3A_352 = tpu.memref_squeeze %dma_start3A_351 : memref<1x128x64xf32, #tpu.memory_space<vmem>> -> memref<128x64xf32, #tpu.memory_space<vmem>>
      %dma_start3A_353 = tpu.memref_slice %arg8[%mul3A_346] : memref<6400xi32, #tpu.memory_space<vmem>> -> memref<128xi32, #tpu.memory_space<vmem>>
      %dma_start3A_354 = arith.constant 0 : i32
      %dma_start3A_355 = arith.constant 0 : i32
      %dma_start3A_356 = tpu.memref_slice %arg5[%dma_start3A_354, %dma_start3A_355] : memref<2016x64xf32, #tpu.memory_space<hbm>> -> memref<2016x64xf32, #tpu.memory_space<hbm>>
      %dma_start3A_357 = tpu.memref_slice %arg12[%dma_start3A_348] : memref<5x!tpu.dma_semaphore, #tpu.memory_space<semaphore_mem>> -> memref<1x!tpu.dma_semaphore, #tpu.memory_space<semaphore_mem>>
      %dma_start3A_358 = tpu.memref_squeeze %dma_start3A_357 : memref<1x!tpu.dma_semaphore, #tpu.memory_space<semaphore_mem>> -> memref<!tpu.dma_semaphore, #tpu.memory_space<semaphore_mem>>
      tpu.enqueue_indirect_dma source(%dma_start3A_356 : memref<2016x64xf32, #tpu.memory_space<hbm>>) target(%dma_start3A_352 : memref<128x64xf32, #tpu.memory_space<vmem>>) offsets(%dma_start3A_353 : memref<128xi32, #tpu.memory_space<vmem>>) semaphore(%dma_start3A_358 : memref<!tpu.dma_semaphore, #tpu.memory_space<semaphore_mem>>)
      %add3A_359 = arith.constant 1 : i32
      %add3A_360 = arith.addi %mul3A_292, %add3A_359 : i32
      %dma_wait3A_361 = arith.constant 1 : i32
      %dma_wait3A_362 = arith.constant 1 : i32
      %dma_wait3A_363 = arith.constant 0 : i32
      %dma_wait3A_364 = arith.constant 0 : i32
      %dma_wait3A_365 = tpu.memref_slice %arg9[%dma_wait3A_361, %dma_wait3A_363, %dma_wait3A_364] : memref<5x128x64xf32, #tpu.memory_space<vmem>> -> memref<1x128x64xf32, #tpu.memory_space<vmem>>
      %dma_wait3A_366 = tpu.memref_squeeze %dma_wait3A_365 : memref<1x128x64xf32, #tpu.memory_space<vmem>> -> memref<128x64xf32, #tpu.memory_space<vmem>>
      %dma_wait3A_367 = arith.constant 0 : i32
      %dma_wait3A_368 = tpu.memref_slice %arg7[%dma_wait3A_367] : memref<6400xi32, #tpu.memory_space<vmem>> -> memref<128xi32, #tpu.memory_space<vmem>>
      %dma_wait3A_369 = arith.constant 0 : i32
      %dma_wait3A_370 = arith.constant 0 : i32
      %dma_wait3A_371 = tpu.memref_slice %arg4[%dma_wait3A_369, %dma_wait3A_370] : memref<200016x64xf32, #tpu.memory_space<hbm>> -> memref<200016x64xf32, #tpu.memory_space<hbm>>
      %dma_wait3A_372 = tpu.memref_slice %arg11[%dma_wait3A_362] : memref<5x!tpu.dma_semaphore, #tpu.memory_space<semaphore_mem>> -> memref<1x!tpu.dma_semaphore, #tpu.memory_space<semaphore_mem>>
      %dma_wait3A_373 = tpu.memref_squeeze %dma_wait3A_372 : memref<1x!tpu.dma_semaphore, #tpu.memory_space<semaphore_mem>> -> memref<!tpu.dma_semaphore, #tpu.memory_space<semaphore_mem>>
      tpu.wait_indirect_dma semaphore(%dma_wait3A_373 : memref<!tpu.dma_semaphore, #tpu.memory_space<semaphore_mem>>) src(%dma_wait3A_371 : memref<200016x64xf32, #tpu.memory_space<hbm>>) dst(%dma_wait3A_366 : memref<128x64xf32, #tpu.memory_space<vmem>>)
      %dma_wait3A_374 = arith.constant 1 : i32
      %dma_wait3A_375 = arith.constant 1 : i32
      %dma_wait3A_376 = arith.constant 0 : i32
      %dma_wait3A_377 = arith.constant 0 : i32
      %dma_wait3A_378 = tpu.memref_slice %arg10[%dma_wait3A_374, %dma_wait3A_376, %dma_wait3A_377] : memref<5x128x64xf32, #tpu.memory_space<vmem>> -> memref<1x128x64xf32, #tpu.memory_space<vmem>>
      %dma_wait3A_379 = tpu.memref_squeeze %dma_wait3A_378 : memref<1x128x64xf32, #tpu.memory_space<vmem>> -> memref<128x64xf32, #tpu.memory_space<vmem>>
      %dma_wait3A_380 = arith.constant 0 : i32
      %dma_wait3A_381 = tpu.memref_slice %arg8[%dma_wait3A_380] : memref<6400xi32, #tpu.memory_space<vmem>> -> memref<128xi32, #tpu.memory_space<vmem>>
      %dma_wait3A_382 = arith.constant 0 : i32
      %dma_wait3A_383 = arith.constant 0 : i32
      %dma_wait3A_384 = tpu.memref_slice %arg5[%dma_wait3A_382, %dma_wait3A_383] : memref<2016x64xf32, #tpu.memory_space<hbm>> -> memref<2016x64xf32, #tpu.memory_space<hbm>>
      %dma_wait3A_385 = tpu.memref_slice %arg12[%dma_wait3A_375] : memref<5x!tpu.dma_semaphore, #tpu.memory_space<semaphore_mem>> -> memref<1x!tpu.dma_semaphore, #tpu.memory_space<semaphore_mem>>
      %dma_wait3A_386 = tpu.memref_squeeze %dma_wait3A_385 : memref<1x!tpu.dma_semaphore, #tpu.memory_space<semaphore_mem>> -> memref<!tpu.dma_semaphore, #tpu.memory_space<semaphore_mem>>
      tpu.wait_indirect_dma semaphore(%dma_wait3A_386 : memref<!tpu.dma_semaphore, #tpu.memory_space<semaphore_mem>>) src(%dma_wait3A_384 : memref<2016x64xf32, #tpu.memory_space<hbm>>) dst(%dma_wait3A_379 : memref<128x64xf32, #tpu.memory_space<vmem>>)
      %mul3A_387 = arith.constant 128 : i32
      %mul3A_388 = arith.muli %add3A_360, %mul3A_387 : i32
      %add3A_389 = arith.addi %mul3A_2, %mul3A_388 : i32
      %run_scoped3A_390 = arith.constant 1 : i32
      "tpu.region"() ({
        %run_scoped3A_627 = tpu.sem_alloc : memref<!tpu.dma_semaphore, #tpu.memory_space<semaphore_mem>>
        %dma_start3A_628 = arith.constant 0 : i32
        %dma_start3A_629 = arith.constant 0 : i32
        %dma_start3A_630 = tpu.memref_slice %arg9[%run_scoped3A_390, %dma_start3A_628, %dma_start3A_629] : memref<5x128x64xf32, #tpu.memory_space<vmem>> -> memref<1x128x64xf32, #tpu.memory_space<vmem>>
        %dma_start3A_631 = tpu.memref_squeeze %dma_start3A_630 : memref<1x128x64xf32, #tpu.memory_space<vmem>> -> memref<128x64xf32, #tpu.memory_space<vmem>>
        %dma_start3A_632 = arith.constant 0 : i32
        %dma_start3A_633 = tpu.memref_slice %arg6[%add3A_389, %dma_start3A_632] : memref<204800x128xf32, #tpu.memory_space<hbm>> -> memref<128x64xf32, #tpu.memory_space<hbm>>
        %dma_start3A_634 = arith.constant 0 : i32
        %dma_start3A_635 = tpu.memref_slice %arg6[%add3A_389, %dma_start3A_634] : memref<204800x128xf32, #tpu.memory_space<hbm>> -> memref<128x64xf32, #tpu.memory_space<hbm>>
        %dma_start3A_636 = arith.constant 0 : i32
        %dma_start3A_637 = arith.constant 0 : i32
        %dma_start3A_638 = tpu.memref_slice %arg9[%run_scoped3A_390, %dma_start3A_636, %dma_start3A_637] : memref<5x128x64xf32, #tpu.memory_space<vmem>> -> memref<1x128x64xf32, #tpu.memory_space<vmem>>
        %dma_start3A_639 = tpu.memref_squeeze %dma_start3A_638 : memref<1x128x64xf32, #tpu.memory_space<vmem>> -> memref<128x64xf32, #tpu.memory_space<vmem>>
        tpu.enqueue_dma source(%dma_start3A_639 : memref<128x64xf32, #tpu.memory_space<vmem>>) target(%dma_start3A_635 : memref<128x64xf32, #tpu.memory_space<hbm>>) target_semaphore(%run_scoped3A_627 : memref<!tpu.dma_semaphore, #tpu.memory_space<semaphore_mem>>)
        %dma_wait3A_640 = arith.constant 0 : i32
        %dma_wait3A_641 = arith.constant 0 : i32
        %dma_wait3A_642 = tpu.memref_slice %arg9[%run_scoped3A_390, %dma_wait3A_640, %dma_wait3A_641] : memref<5x128x64xf32, #tpu.memory_space<vmem>> -> memref<1x128x64xf32, #tpu.memory_space<vmem>>
        %dma_wait3A_643 = tpu.memref_squeeze %dma_wait3A_642 : memref<1x128x64xf32, #tpu.memory_space<vmem>> -> memref<128x64xf32, #tpu.memory_space<vmem>>
        %dma_wait3A_644 = arith.constant 0 : i32
        %dma_wait3A_645 = tpu.memref_slice %arg6[%add3A_389, %dma_wait3A_644] : memref<204800x128xf32, #tpu.memory_space<hbm>> -> memref<128x64xf32, #tpu.memory_space<hbm>>
        %dma_wait3A_646 = arith.constant 0 : i32
        %dma_wait3A_647 = tpu.memref_slice %arg6[%add3A_389, %dma_wait3A_646] : memref<204800x128xf32, #tpu.memory_space<hbm>> -> memref<128x64xf32, #tpu.memory_space<hbm>>
        %dma_wait3A_648 = arith.constant 0 : i32
        %dma_wait3A_649 = arith.constant 0 : i32
        %dma_wait3A_650 = tpu.memref_slice %arg9[%run_scoped3A_390, %dma_wait3A_648, %dma_wait3A_649] : memref<5x128x64xf32, #tpu.memory_space<vmem>> -> memref<1x128x64xf32, #tpu.memory_space<vmem>>
        %dma_wait3A_651 = tpu.memref_squeeze %dma_wait3A_650 : memref<1x128x64xf32, #tpu.memory_space<vmem>> -> memref<128x64xf32, #tpu.memory_space<vmem>>
        tpu.wait_dma2 semaphore(%run_scoped3A_627 : memref<!tpu.dma_semaphore, #tpu.memory_space<semaphore_mem>>) src(%dma_wait3A_651 : memref<128x64xf32, #tpu.memory_space<vmem>>) dst(%dma_wait3A_647 : memref<128x64xf32, #tpu.memory_space<hbm>>)
        tpu.yield
      }) : () -> ()
      %run_scoped3A_391 = arith.constant 1 : i32
      "tpu.region"() ({
        %run_scoped3A_627 = tpu.sem_alloc : memref<!tpu.dma_semaphore, #tpu.memory_space<semaphore_mem>>
        %dma_start3A_628 = arith.constant 0 : i32
        %dma_start3A_629 = arith.constant 0 : i32
        %dma_start3A_630 = tpu.memref_slice %arg10[%run_scoped3A_391, %dma_start3A_628, %dma_start3A_629] : memref<5x128x64xf32, #tpu.memory_space<vmem>> -> memref<1x128x64xf32, #tpu.memory_space<vmem>>
        %dma_start3A_631 = tpu.memref_squeeze %dma_start3A_630 : memref<1x128x64xf32, #tpu.memory_space<vmem>> -> memref<128x64xf32, #tpu.memory_space<vmem>>
        %dma_start3A_632 = arith.constant 64 : i32
        %dma_start3A_633 = tpu.memref_slice %arg6[%add3A_389, %dma_start3A_632] : memref<204800x128xf32, #tpu.memory_space<hbm>> -> memref<128x64xf32, #tpu.memory_space<hbm>>
        %dma_start3A_634 = arith.constant 64 : i32
        %dma_start3A_635 = tpu.memref_slice %arg6[%add3A_389, %dma_start3A_634] : memref<204800x128xf32, #tpu.memory_space<hbm>> -> memref<128x64xf32, #tpu.memory_space<hbm>>
        %dma_start3A_636 = arith.constant 0 : i32
        %dma_start3A_637 = arith.constant 0 : i32
        %dma_start3A_638 = tpu.memref_slice %arg10[%run_scoped3A_391, %dma_start3A_636, %dma_start3A_637] : memref<5x128x64xf32, #tpu.memory_space<vmem>> -> memref<1x128x64xf32, #tpu.memory_space<vmem>>
        %dma_start3A_639 = tpu.memref_squeeze %dma_start3A_638 : memref<1x128x64xf32, #tpu.memory_space<vmem>> -> memref<128x64xf32, #tpu.memory_space<vmem>>
        tpu.enqueue_dma source(%dma_start3A_639 : memref<128x64xf32, #tpu.memory_space<vmem>>) target(%dma_start3A_635 : memref<128x64xf32, #tpu.memory_space<hbm>>) target_semaphore(%run_scoped3A_627 : memref<!tpu.dma_semaphore, #tpu.memory_space<semaphore_mem>>)
        %dma_wait3A_640 = arith.constant 0 : i32
        %dma_wait3A_641 = arith.constant 0 : i32
        %dma_wait3A_642 = tpu.memref_slice %arg10[%run_scoped3A_391, %dma_wait3A_640, %dma_wait3A_641] : memref<5x128x64xf32, #tpu.memory_space<vmem>> -> memref<1x128x64xf32, #tpu.memory_space<vmem>>
        %dma_wait3A_643 = tpu.memref_squeeze %dma_wait3A_642 : memref<1x128x64xf32, #tpu.memory_space<vmem>> -> memref<128x64xf32, #tpu.memory_space<vmem>>
        %dma_wait3A_644 = arith.constant 64 : i32
        %dma_wait3A_645 = tpu.memref_slice %arg6[%add3A_389, %dma_wait3A_644] : memref<204800x128xf32, #tpu.memory_space<hbm>> -> memref<128x64xf32, #tpu.memory_space<hbm>>
        %dma_wait3A_646 = arith.constant 64 : i32
        %dma_wait3A_647 = tpu.memref_slice %arg6[%add3A_389, %dma_wait3A_646] : memref<204800x128xf32, #tpu.memory_space<hbm>> -> memref<128x64xf32, #tpu.memory_space<hbm>>
        %dma_wait3A_648 = arith.constant 0 : i32
        %dma_wait3A_649 = arith.constant 0 : i32
        %dma_wait3A_650 = tpu.memref_slice %arg10[%run_scoped3A_391, %dma_wait3A_648, %dma_wait3A_649] : memref<5x128x64xf32, #tpu.memory_space<vmem>> -> memref<1x128x64xf32, #tpu.memory_space<vmem>>
        %dma_wait3A_651 = tpu.memref_squeeze %dma_wait3A_650 : memref<1x128x64xf32, #tpu.memory_space<vmem>> -> memref<128x64xf32, #tpu.memory_space<vmem>>
        tpu.wait_dma2 semaphore(%run_scoped3A_627 : memref<!tpu.dma_semaphore, #tpu.memory_space<semaphore_mem>>) src(%dma_wait3A_651 : memref<128x64xf32, #tpu.memory_space<vmem>>) dst(%dma_wait3A_647 : memref<128x64xf32, #tpu.memory_space<hbm>>)
        tpu.yield
      }) : () -> ()
      %add3A_392 = arith.constant 1 : i32
      %add3A_393 = arith.addi %mul3A_292, %add3A_392 : i32
      %add3A_394 = arith.constant 5 : i32
      %add3A_395 = arith.addi %add3A_393, %add3A_394 : i32
      %min3A_396 = arith.constant 49 : i32
      %min3A_397 = arith.minsi %add3A_395, %min3A_396 : i32
      %mul3A_398 = arith.constant 128 : i32
      %mul3A_399 = arith.muli %min3A_397, %mul3A_398 : i32
      %dma_start3A_400 = arith.constant 1 : i32
      %dma_start3A_401 = arith.constant 1 : i32
      %dma_start3A_402 = arith.constant 0 : i32
      %dma_start3A_403 = arith.constant 0 : i32
      %dma_start3A_404 = tpu.memref_slice %arg9[%dma_start3A_400, %dma_start3A_402, %dma_start3A_403] : memref<5x128x64xf32, #tpu.memory_space<vmem>> -> memref<1x128x64xf32, #tpu.memory_space<vmem>>
      %dma_start3A_405 = tpu.memref_squeeze %dma_start3A_404 : memref<1x128x64xf32, #tpu.memory_space<vmem>> -> memref<128x64xf32, #tpu.memory_space<vmem>>
      %dma_start3A_406 = tpu.memref_slice %arg7[%mul3A_399] : memref<6400xi32, #tpu.memory_space<vmem>> -> memref<128xi32, #tpu.memory_space<vmem>>
      %dma_start3A_407 = arith.constant 0 : i32
      %dma_start3A_408 = arith.constant 0 : i32
      %dma_start3A_409 = tpu.memref_slice %arg4[%dma_start3A_407, %dma_start3A_408] : memref<200016x64xf32, #tpu.memory_space<hbm>> -> memref<200016x64xf32, #tpu.memory_space<hbm>>
      %dma_start3A_410 = tpu.memref_slice %arg11[%dma_start3A_401] : memref<5x!tpu.dma_semaphore, #tpu.memory_space<semaphore_mem>> -> memref<1x!tpu.dma_semaphore, #tpu.memory_space<semaphore_mem>>
      %dma_start3A_411 = tpu.memref_squeeze %dma_start3A_410 : memref<1x!tpu.dma_semaphore, #tpu.memory_space<semaphore_mem>> -> memref<!tpu.dma_semaphore, #tpu.memory_space<semaphore_mem>>
      tpu.enqueue_indirect_dma source(%dma_start3A_409 : memref<200016x64xf32, #tpu.memory_space<hbm>>) target(%dma_start3A_405 : memref<128x64xf32, #tpu.memory_space<vmem>>) offsets(%dma_start3A_406 : memref<128xi32, #tpu.memory_space<vmem>>) semaphore(%dma_start3A_411 : memref<!tpu.dma_semaphore, #tpu.memory_space<semaphore_mem>>)
      %mul3A_412 = arith.constant 128 : i32
      %mul3A_413 = arith.muli %min3A_397, %mul3A_412 : i32
      %dma_start3A_414 = arith.constant 1 : i32
      %dma_start3A_415 = arith.constant 1 : i32
      %dma_start3A_416 = arith.constant 0 : i32
      %dma_start3A_417 = arith.constant 0 : i32
      %dma_start3A_418 = tpu.memref_slice %arg10[%dma_start3A_414, %dma_start3A_416, %dma_start3A_417] : memref<5x128x64xf32, #tpu.memory_space<vmem>> -> memref<1x128x64xf32, #tpu.memory_space<vmem>>
      %dma_start3A_419 = tpu.memref_squeeze %dma_start3A_418 : memref<1x128x64xf32, #tpu.memory_space<vmem>> -> memref<128x64xf32, #tpu.memory_space<vmem>>
      %dma_start3A_420 = tpu.memref_slice %arg8[%mul3A_413] : memref<6400xi32, #tpu.memory_space<vmem>> -> memref<128xi32, #tpu.memory_space<vmem>>
      %dma_start3A_421 = arith.constant 0 : i32
      %dma_start3A_422 = arith.constant 0 : i32
      %dma_start3A_423 = tpu.memref_slice %arg5[%dma_start3A_421, %dma_start3A_422] : memref<2016x64xf32, #tpu.memory_space<hbm>> -> memref<2016x64xf32, #tpu.memory_space<hbm>>
      %dma_start3A_424 = tpu.memref_slice %arg12[%dma_start3A_415] : memref<5x!tpu.dma_semaphore, #tpu.memory_space<semaphore_mem>> -> memref<1x!tpu.dma_semaphore, #tpu.memory_space<semaphore_mem>>
      %dma_start3A_425 = tpu.memref_squeeze %dma_start3A_424 : memref<1x!tpu.dma_semaphore, #tpu.memory_space<semaphore_mem>> -> memref<!tpu.dma_semaphore, #tpu.memory_space<semaphore_mem>>
      tpu.enqueue_indirect_dma source(%dma_start3A_423 : memref<2016x64xf32, #tpu.memory_space<hbm>>) target(%dma_start3A_419 : memref<128x64xf32, #tpu.memory_space<vmem>>) offsets(%dma_start3A_420 : memref<128xi32, #tpu.memory_space<vmem>>) semaphore(%dma_start3A_425 : memref<!tpu.dma_semaphore, #tpu.memory_space<semaphore_mem>>)
      %add3A_426 = arith.constant 2 : i32
      %add3A_427 = arith.addi %mul3A_292, %add3A_426 : i32
      %dma_wait3A_428 = arith.constant 2 : i32
      %dma_wait3A_429 = arith.constant 2 : i32
      %dma_wait3A_430 = arith.constant 0 : i32
      %dma_wait3A_431 = arith.constant 0 : i32
      %dma_wait3A_432 = tpu.memref_slice %arg9[%dma_wait3A_428, %dma_wait3A_430, %dma_wait3A_431] : memref<5x128x64xf32, #tpu.memory_space<vmem>> -> memref<1x128x64xf32, #tpu.memory_space<vmem>>
      %dma_wait3A_433 = tpu.memref_squeeze %dma_wait3A_432 : memref<1x128x64xf32, #tpu.memory_space<vmem>> -> memref<128x64xf32, #tpu.memory_space<vmem>>
      %dma_wait3A_434 = arith.constant 0 : i32
      %dma_wait3A_435 = tpu.memref_slice %arg7[%dma_wait3A_434] : memref<6400xi32, #tpu.memory_space<vmem>> -> memref<128xi32, #tpu.memory_space<vmem>>
      %dma_wait3A_436 = arith.constant 0 : i32
      %dma_wait3A_437 = arith.constant 0 : i32
      %dma_wait3A_438 = tpu.memref_slice %arg4[%dma_wait3A_436, %dma_wait3A_437] : memref<200016x64xf32, #tpu.memory_space<hbm>> -> memref<200016x64xf32, #tpu.memory_space<hbm>>
      %dma_wait3A_439 = tpu.memref_slice %arg11[%dma_wait3A_429] : memref<5x!tpu.dma_semaphore, #tpu.memory_space<semaphore_mem>> -> memref<1x!tpu.dma_semaphore, #tpu.memory_space<semaphore_mem>>
      %dma_wait3A_440 = tpu.memref_squeeze %dma_wait3A_439 : memref<1x!tpu.dma_semaphore, #tpu.memory_space<semaphore_mem>> -> memref<!tpu.dma_semaphore, #tpu.memory_space<semaphore_mem>>
      tpu.wait_indirect_dma semaphore(%dma_wait3A_440 : memref<!tpu.dma_semaphore, #tpu.memory_space<semaphore_mem>>) src(%dma_wait3A_438 : memref<200016x64xf32, #tpu.memory_space<hbm>>) dst(%dma_wait3A_433 : memref<128x64xf32, #tpu.memory_space<vmem>>)
      %dma_wait3A_441 = arith.constant 2 : i32
      %dma_wait3A_442 = arith.constant 2 : i32
      %dma_wait3A_443 = arith.constant 0 : i32
      %dma_wait3A_444 = arith.constant 0 : i32
      %dma_wait3A_445 = tpu.memref_slice %arg10[%dma_wait3A_441, %dma_wait3A_443, %dma_wait3A_444] : memref<5x128x64xf32, #tpu.memory_space<vmem>> -> memref<1x128x64xf32, #tpu.memory_space<vmem>>
      %dma_wait3A_446 = tpu.memref_squeeze %dma_wait3A_445 : memref<1x128x64xf32, #tpu.memory_space<vmem>> -> memref<128x64xf32, #tpu.memory_space<vmem>>
      %dma_wait3A_447 = arith.constant 0 : i32
      %dma_wait3A_448 = tpu.memref_slice %arg8[%dma_wait3A_447] : memref<6400xi32, #tpu.memory_space<vmem>> -> memref<128xi32, #tpu.memory_space<vmem>>
      %dma_wait3A_449 = arith.constant 0 : i32
      %dma_wait3A_450 = arith.constant 0 : i32
      %dma_wait3A_451 = tpu.memref_slice %arg5[%dma_wait3A_449, %dma_wait3A_450] : memref<2016x64xf32, #tpu.memory_space<hbm>> -> memref<2016x64xf32, #tpu.memory_space<hbm>>
      %dma_wait3A_452 = tpu.memref_slice %arg12[%dma_wait3A_442] : memref<5x!tpu.dma_semaphore, #tpu.memory_space<semaphore_mem>> -> memref<1x!tpu.dma_semaphore, #tpu.memory_space<semaphore_mem>>
      %dma_wait3A_453 = tpu.memref_squeeze %dma_wait3A_452 : memref<1x!tpu.dma_semaphore, #tpu.memory_space<semaphore_mem>> -> memref<!tpu.dma_semaphore, #tpu.memory_space<semaphore_mem>>
      tpu.wait_indirect_dma semaphore(%dma_wait3A_453 : memref<!tpu.dma_semaphore, #tpu.memory_space<semaphore_mem>>) src(%dma_wait3A_451 : memref<2016x64xf32, #tpu.memory_space<hbm>>) dst(%dma_wait3A_446 : memref<128x64xf32, #tpu.memory_space<vmem>>)
      %mul3A_454 = arith.constant 128 : i32
      %mul3A_455 = arith.muli %add3A_427, %mul3A_454 : i32
      %add3A_456 = arith.addi %mul3A_2, %mul3A_455 : i32
      %run_scoped3A_457 = arith.constant 2 : i32
      "tpu.region"() ({
        %run_scoped3A_627 = tpu.sem_alloc : memref<!tpu.dma_semaphore, #tpu.memory_space<semaphore_mem>>
        %dma_start3A_628 = arith.constant 0 : i32
        %dma_start3A_629 = arith.constant 0 : i32
        %dma_start3A_630 = tpu.memref_slice %arg9[%run_scoped3A_457, %dma_start3A_628, %dma_start3A_629] : memref<5x128x64xf32, #tpu.memory_space<vmem>> -> memref<1x128x64xf32, #tpu.memory_space<vmem>>
        %dma_start3A_631 = tpu.memref_squeeze %dma_start3A_630 : memref<1x128x64xf32, #tpu.memory_space<vmem>> -> memref<128x64xf32, #tpu.memory_space<vmem>>
        %dma_start3A_632 = arith.constant 0 : i32
        %dma_start3A_633 = tpu.memref_slice %arg6[%add3A_456, %dma_start3A_632] : memref<204800x128xf32, #tpu.memory_space<hbm>> -> memref<128x64xf32, #tpu.memory_space<hbm>>
        %dma_start3A_634 = arith.constant 0 : i32
        %dma_start3A_635 = tpu.memref_slice %arg6[%add3A_456, %dma_start3A_634] : memref<204800x128xf32, #tpu.memory_space<hbm>> -> memref<128x64xf32, #tpu.memory_space<hbm>>
        %dma_start3A_636 = arith.constant 0 : i32
        %dma_start3A_637 = arith.constant 0 : i32
        %dma_start3A_638 = tpu.memref_slice %arg9[%run_scoped3A_457, %dma_start3A_636, %dma_start3A_637] : memref<5x128x64xf32, #tpu.memory_space<vmem>> -> memref<1x128x64xf32, #tpu.memory_space<vmem>>
        %dma_start3A_639 = tpu.memref_squeeze %dma_start3A_638 : memref<1x128x64xf32, #tpu.memory_space<vmem>> -> memref<128x64xf32, #tpu.memory_space<vmem>>
        tpu.enqueue_dma source(%dma_start3A_639 : memref<128x64xf32, #tpu.memory_space<vmem>>) target(%dma_start3A_635 : memref<128x64xf32, #tpu.memory_space<hbm>>) target_semaphore(%run_scoped3A_627 : memref<!tpu.dma_semaphore, #tpu.memory_space<semaphore_mem>>)
        %dma_wait3A_640 = arith.constant 0 : i32
        %dma_wait3A_641 = arith.constant 0 : i32
        %dma_wait3A_642 = tpu.memref_slice %arg9[%run_scoped3A_457, %dma_wait3A_640, %dma_wait3A_641] : memref<5x128x64xf32, #tpu.memory_space<vmem>> -> memref<1x128x64xf32, #tpu.memory_space<vmem>>
        %dma_wait3A_643 = tpu.memref_squeeze %dma_wait3A_642 : memref<1x128x64xf32, #tpu.memory_space<vmem>> -> memref<128x64xf32, #tpu.memory_space<vmem>>
        %dma_wait3A_644 = arith.constant 0 : i32
        %dma_wait3A_645 = tpu.memref_slice %arg6[%add3A_456, %dma_wait3A_644] : memref<204800x128xf32, #tpu.memory_space<hbm>> -> memref<128x64xf32, #tpu.memory_space<hbm>>
        %dma_wait3A_646 = arith.constant 0 : i32
        %dma_wait3A_647 = tpu.memref_slice %arg6[%add3A_456, %dma_wait3A_646] : memref<204800x128xf32, #tpu.memory_space<hbm>> -> memref<128x64xf32, #tpu.memory_space<hbm>>
        %dma_wait3A_648 = arith.constant 0 : i32
        %dma_wait3A_649 = arith.constant 0 : i32
        %dma_wait3A_650 = tpu.memref_slice %arg9[%run_scoped3A_457, %dma_wait3A_648, %dma_wait3A_649] : memref<5x128x64xf32, #tpu.memory_space<vmem>> -> memref<1x128x64xf32, #tpu.memory_space<vmem>>
        %dma_wait3A_651 = tpu.memref_squeeze %dma_wait3A_650 : memref<1x128x64xf32, #tpu.memory_space<vmem>> -> memref<128x64xf32, #tpu.memory_space<vmem>>
        tpu.wait_dma2 semaphore(%run_scoped3A_627 : memref<!tpu.dma_semaphore, #tpu.memory_space<semaphore_mem>>) src(%dma_wait3A_651 : memref<128x64xf32, #tpu.memory_space<vmem>>) dst(%dma_wait3A_647 : memref<128x64xf32, #tpu.memory_space<hbm>>)
        tpu.yield
      }) : () -> ()
      %run_scoped3A_458 = arith.constant 2 : i32
      "tpu.region"() ({
        %run_scoped3A_627 = tpu.sem_alloc : memref<!tpu.dma_semaphore, #tpu.memory_space<semaphore_mem>>
        %dma_start3A_628 = arith.constant 0 : i32
        %dma_start3A_629 = arith.constant 0 : i32
        %dma_start3A_630 = tpu.memref_slice %arg10[%run_scoped3A_458, %dma_start3A_628, %dma_start3A_629] : memref<5x128x64xf32, #tpu.memory_space<vmem>> -> memref<1x128x64xf32, #tpu.memory_space<vmem>>
        %dma_start3A_631 = tpu.memref_squeeze %dma_start3A_630 : memref<1x128x64xf32, #tpu.memory_space<vmem>> -> memref<128x64xf32, #tpu.memory_space<vmem>>
        %dma_start3A_632 = arith.constant 64 : i32
        %dma_start3A_633 = tpu.memref_slice %arg6[%add3A_456, %dma_start3A_632] : memref<204800x128xf32, #tpu.memory_space<hbm>> -> memref<128x64xf32, #tpu.memory_space<hbm>>
        %dma_start3A_634 = arith.constant 64 : i32
        %dma_start3A_635 = tpu.memref_slice %arg6[%add3A_456, %dma_start3A_634] : memref<204800x128xf32, #tpu.memory_space<hbm>> -> memref<128x64xf32, #tpu.memory_space<hbm>>
        %dma_start3A_636 = arith.constant 0 : i32
        %dma_start3A_637 = arith.constant 0 : i32
        %dma_start3A_638 = tpu.memref_slice %arg10[%run_scoped3A_458, %dma_start3A_636, %dma_start3A_637] : memref<5x128x64xf32, #tpu.memory_space<vmem>> -> memref<1x128x64xf32, #tpu.memory_space<vmem>>
        %dma_start3A_639 = tpu.memref_squeeze %dma_start3A_638 : memref<1x128x64xf32, #tpu.memory_space<vmem>> -> memref<128x64xf32, #tpu.memory_space<vmem>>
        tpu.enqueue_dma source(%dma_start3A_639 : memref<128x64xf32, #tpu.memory_space<vmem>>) target(%dma_start3A_635 : memref<128x64xf32, #tpu.memory_space<hbm>>) target_semaphore(%run_scoped3A_627 : memref<!tpu.dma_semaphore, #tpu.memory_space<semaphore_mem>>)
        %dma_wait3A_640 = arith.constant 0 : i32
        %dma_wait3A_641 = arith.constant 0 : i32
        %dma_wait3A_642 = tpu.memref_slice %arg10[%run_scoped3A_458, %dma_wait3A_640, %dma_wait3A_641] : memref<5x128x64xf32, #tpu.memory_space<vmem>> -> memref<1x128x64xf32, #tpu.memory_space<vmem>>
        %dma_wait3A_643 = tpu.memref_squeeze %dma_wait3A_642 : memref<1x128x64xf32, #tpu.memory_space<vmem>> -> memref<128x64xf32, #tpu.memory_space<vmem>>
        %dma_wait3A_644 = arith.constant 64 : i32
        %dma_wait3A_645 = tpu.memref_slice %arg6[%add3A_456, %dma_wait3A_644] : memref<204800x128xf32, #tpu.memory_space<hbm>> -> memref<128x64xf32, #tpu.memory_space<hbm>>
        %dma_wait3A_646 = arith.constant 64 : i32
        %dma_wait3A_647 = tpu.memref_slice %arg6[%add3A_456, %dma_wait3A_646] : memref<204800x128xf32, #tpu.memory_space<hbm>> -> memref<128x64xf32, #tpu.memory_space<hbm>>
        %dma_wait3A_648 = arith.constant 0 : i32
        %dma_wait3A_649 = arith.constant 0 : i32
        %dma_wait3A_650 = tpu.memref_slice %arg10[%run_scoped3A_458, %dma_wait3A_648, %dma_wait3A_649] : memref<5x128x64xf32, #tpu.memory_space<vmem>> -> memref<1x128x64xf32, #tpu.memory_space<vmem>>
        %dma_wait3A_651 = tpu.memref_squeeze %dma_wait3A_650 : memref<1x128x64xf32, #tpu.memory_space<vmem>> -> memref<128x64xf32, #tpu.memory_space<vmem>>
        tpu.wait_dma2 semaphore(%run_scoped3A_627 : memref<!tpu.dma_semaphore, #tpu.memory_space<semaphore_mem>>) src(%dma_wait3A_651 : memref<128x64xf32, #tpu.memory_space<vmem>>) dst(%dma_wait3A_647 : memref<128x64xf32, #tpu.memory_space<hbm>>)
        tpu.yield
      }) : () -> ()
      %add3A_459 = arith.constant 2 : i32
      %add3A_460 = arith.addi %mul3A_292, %add3A_459 : i32
      %add3A_461 = arith.constant 5 : i32
      %add3A_462 = arith.addi %add3A_460, %add3A_461 : i32
      %min3A_463 = arith.constant 49 : i32
      %min3A_464 = arith.minsi %add3A_462, %min3A_463 : i32
      %mul3A_465 = arith.constant 128 : i32
      %mul3A_466 = arith.muli %min3A_464, %mul3A_465 : i32
      %dma_start3A_467 = arith.constant 2 : i32
      %dma_start3A_468 = arith.constant 2 : i32
      %dma_start3A_469 = arith.constant 0 : i32
      %dma_start3A_470 = arith.constant 0 : i32
      %dma_start3A_471 = tpu.memref_slice %arg9[%dma_start3A_467, %dma_start3A_469, %dma_start3A_470] : memref<5x128x64xf32, #tpu.memory_space<vmem>> -> memref<1x128x64xf32, #tpu.memory_space<vmem>>
      %dma_start3A_472 = tpu.memref_squeeze %dma_start3A_471 : memref<1x128x64xf32, #tpu.memory_space<vmem>> -> memref<128x64xf32, #tpu.memory_space<vmem>>
      %dma_start3A_473 = tpu.memref_slice %arg7[%mul3A_466] : memref<6400xi32, #tpu.memory_space<vmem>> -> memref<128xi32, #tpu.memory_space<vmem>>
      %dma_start3A_474 = arith.constant 0 : i32
      %dma_start3A_475 = arith.constant 0 : i32
      %dma_start3A_476 = tpu.memref_slice %arg4[%dma_start3A_474, %dma_start3A_475] : memref<200016x64xf32, #tpu.memory_space<hbm>> -> memref<200016x64xf32, #tpu.memory_space<hbm>>
      %dma_start3A_477 = tpu.memref_slice %arg11[%dma_start3A_468] : memref<5x!tpu.dma_semaphore, #tpu.memory_space<semaphore_mem>> -> memref<1x!tpu.dma_semaphore, #tpu.memory_space<semaphore_mem>>
      %dma_start3A_478 = tpu.memref_squeeze %dma_start3A_477 : memref<1x!tpu.dma_semaphore, #tpu.memory_space<semaphore_mem>> -> memref<!tpu.dma_semaphore, #tpu.memory_space<semaphore_mem>>
      tpu.enqueue_indirect_dma source(%dma_start3A_476 : memref<200016x64xf32, #tpu.memory_space<hbm>>) target(%dma_start3A_472 : memref<128x64xf32, #tpu.memory_space<vmem>>) offsets(%dma_start3A_473 : memref<128xi32, #tpu.memory_space<vmem>>) semaphore(%dma_start3A_478 : memref<!tpu.dma_semaphore, #tpu.memory_space<semaphore_mem>>)
      %mul3A_479 = arith.constant 128 : i32
      %mul3A_480 = arith.muli %min3A_464, %mul3A_479 : i32
      %dma_start3A_481 = arith.constant 2 : i32
      %dma_start3A_482 = arith.constant 2 : i32
      %dma_start3A_483 = arith.constant 0 : i32
      %dma_start3A_484 = arith.constant 0 : i32
      %dma_start3A_485 = tpu.memref_slice %arg10[%dma_start3A_481, %dma_start3A_483, %dma_start3A_484] : memref<5x128x64xf32, #tpu.memory_space<vmem>> -> memref<1x128x64xf32, #tpu.memory_space<vmem>>
      %dma_start3A_486 = tpu.memref_squeeze %dma_start3A_485 : memref<1x128x64xf32, #tpu.memory_space<vmem>> -> memref<128x64xf32, #tpu.memory_space<vmem>>
      %dma_start3A_487 = tpu.memref_slice %arg8[%mul3A_480] : memref<6400xi32, #tpu.memory_space<vmem>> -> memref<128xi32, #tpu.memory_space<vmem>>
      %dma_start3A_488 = arith.constant 0 : i32
      %dma_start3A_489 = arith.constant 0 : i32
      %dma_start3A_490 = tpu.memref_slice %arg5[%dma_start3A_488, %dma_start3A_489] : memref<2016x64xf32, #tpu.memory_space<hbm>> -> memref<2016x64xf32, #tpu.memory_space<hbm>>
      %dma_start3A_491 = tpu.memref_slice %arg12[%dma_start3A_482] : memref<5x!tpu.dma_semaphore, #tpu.memory_space<semaphore_mem>> -> memref<1x!tpu.dma_semaphore, #tpu.memory_space<semaphore_mem>>
      %dma_start3A_492 = tpu.memref_squeeze %dma_start3A_491 : memref<1x!tpu.dma_semaphore, #tpu.memory_space<semaphore_mem>> -> memref<!tpu.dma_semaphore, #tpu.memory_space<semaphore_mem>>
      tpu.enqueue_indirect_dma source(%dma_start3A_490 : memref<2016x64xf32, #tpu.memory_space<hbm>>) target(%dma_start3A_486 : memref<128x64xf32, #tpu.memory_space<vmem>>) offsets(%dma_start3A_487 : memref<128xi32, #tpu.memory_space<vmem>>) semaphore(%dma_start3A_492 : memref<!tpu.dma_semaphore, #tpu.memory_space<semaphore_mem>>)
      %add3A_493 = arith.constant 3 : i32
      %add3A_494 = arith.addi %mul3A_292, %add3A_493 : i32
      %dma_wait3A_495 = arith.constant 3 : i32
      %dma_wait3A_496 = arith.constant 3 : i32
      %dma_wait3A_497 = arith.constant 0 : i32
      %dma_wait3A_498 = arith.constant 0 : i32
      %dma_wait3A_499 = tpu.memref_slice %arg9[%dma_wait3A_495, %dma_wait3A_497, %dma_wait3A_498] : memref<5x128x64xf32, #tpu.memory_space<vmem>> -> memref<1x128x64xf32, #tpu.memory_space<vmem>>
      %dma_wait3A_500 = tpu.memref_squeeze %dma_wait3A_499 : memref<1x128x64xf32, #tpu.memory_space<vmem>> -> memref<128x64xf32, #tpu.memory_space<vmem>>
      %dma_wait3A_501 = arith.constant 0 : i32
      %dma_wait3A_502 = tpu.memref_slice %arg7[%dma_wait3A_501] : memref<6400xi32, #tpu.memory_space<vmem>> -> memref<128xi32, #tpu.memory_space<vmem>>
      %dma_wait3A_503 = arith.constant 0 : i32
      %dma_wait3A_504 = arith.constant 0 : i32
      %dma_wait3A_505 = tpu.memref_slice %arg4[%dma_wait3A_503, %dma_wait3A_504] : memref<200016x64xf32, #tpu.memory_space<hbm>> -> memref<200016x64xf32, #tpu.memory_space<hbm>>
      %dma_wait3A_506 = tpu.memref_slice %arg11[%dma_wait3A_496] : memref<5x!tpu.dma_semaphore, #tpu.memory_space<semaphore_mem>> -> memref<1x!tpu.dma_semaphore, #tpu.memory_space<semaphore_mem>>
      %dma_wait3A_507 = tpu.memref_squeeze %dma_wait3A_506 : memref<1x!tpu.dma_semaphore, #tpu.memory_space<semaphore_mem>> -> memref<!tpu.dma_semaphore, #tpu.memory_space<semaphore_mem>>
      tpu.wait_indirect_dma semaphore(%dma_wait3A_507 : memref<!tpu.dma_semaphore, #tpu.memory_space<semaphore_mem>>) src(%dma_wait3A_505 : memref<200016x64xf32, #tpu.memory_space<hbm>>) dst(%dma_wait3A_500 : memref<128x64xf32, #tpu.memory_space<vmem>>)
      %dma_wait3A_508 = arith.constant 3 : i32
      %dma_wait3A_509 = arith.constant 3 : i32
      %dma_wait3A_510 = arith.constant 0 : i32
      %dma_wait3A_511 = arith.constant 0 : i32
      %dma_wait3A_512 = tpu.memref_slice %arg10[%dma_wait3A_508, %dma_wait3A_510, %dma_wait3A_511] : memref<5x128x64xf32, #tpu.memory_space<vmem>> -> memref<1x128x64xf32, #tpu.memory_space<vmem>>
      %dma_wait3A_513 = tpu.memref_squeeze %dma_wait3A_512 : memref<1x128x64xf32, #tpu.memory_space<vmem>> -> memref<128x64xf32, #tpu.memory_space<vmem>>
      %dma_wait3A_514 = arith.constant 0 : i32
      %dma_wait3A_515 = tpu.memref_slice %arg8[%dma_wait3A_514] : memref<6400xi32, #tpu.memory_space<vmem>> -> memref<128xi32, #tpu.memory_space<vmem>>
      %dma_wait3A_516 = arith.constant 0 : i32
      %dma_wait3A_517 = arith.constant 0 : i32
      %dma_wait3A_518 = tpu.memref_slice %arg5[%dma_wait3A_516, %dma_wait3A_517] : memref<2016x64xf32, #tpu.memory_space<hbm>> -> memref<2016x64xf32, #tpu.memory_space<hbm>>
      %dma_wait3A_519 = tpu.memref_slice %arg12[%dma_wait3A_509] : memref<5x!tpu.dma_semaphore, #tpu.memory_space<semaphore_mem>> -> memref<1x!tpu.dma_semaphore, #tpu.memory_space<semaphore_mem>>
      %dma_wait3A_520 = tpu.memref_squeeze %dma_wait3A_519 : memref<1x!tpu.dma_semaphore, #tpu.memory_space<semaphore_mem>> -> memref<!tpu.dma_semaphore, #tpu.memory_space<semaphore_mem>>
      tpu.wait_indirect_dma semaphore(%dma_wait3A_520 : memref<!tpu.dma_semaphore, #tpu.memory_space<semaphore_mem>>) src(%dma_wait3A_518 : memref<2016x64xf32, #tpu.memory_space<hbm>>) dst(%dma_wait3A_513 : memref<128x64xf32, #tpu.memory_space<vmem>>)
      %mul3A_521 = arith.constant 128 : i32
      %mul3A_522 = arith.muli %add3A_494, %mul3A_521 : i32
      %add3A_523 = arith.addi %mul3A_2, %mul3A_522 : i32
      %run_scoped3A_524 = arith.constant 3 : i32
      "tpu.region"() ({
        %run_scoped3A_627 = tpu.sem_alloc : memref<!tpu.dma_semaphore, #tpu.memory_space<semaphore_mem>>
        %dma_start3A_628 = arith.constant 0 : i32
        %dma_start3A_629 = arith.constant 0 : i32
        %dma_start3A_630 = tpu.memref_slice %arg9[%run_scoped3A_524, %dma_start3A_628, %dma_start3A_629] : memref<5x128x64xf32, #tpu.memory_space<vmem>> -> memref<1x128x64xf32, #tpu.memory_space<vmem>>
        %dma_start3A_631 = tpu.memref_squeeze %dma_start3A_630 : memref<1x128x64xf32, #tpu.memory_space<vmem>> -> memref<128x64xf32, #tpu.memory_space<vmem>>
        %dma_start3A_632 = arith.constant 0 : i32
        %dma_start3A_633 = tpu.memref_slice %arg6[%add3A_523, %dma_start3A_632] : memref<204800x128xf32, #tpu.memory_space<hbm>> -> memref<128x64xf32, #tpu.memory_space<hbm>>
        %dma_start3A_634 = arith.constant 0 : i32
        %dma_start3A_635 = tpu.memref_slice %arg6[%add3A_523, %dma_start3A_634] : memref<204800x128xf32, #tpu.memory_space<hbm>> -> memref<128x64xf32, #tpu.memory_space<hbm>>
        %dma_start3A_636 = arith.constant 0 : i32
        %dma_start3A_637 = arith.constant 0 : i32
        %dma_start3A_638 = tpu.memref_slice %arg9[%run_scoped3A_524, %dma_start3A_636, %dma_start3A_637] : memref<5x128x64xf32, #tpu.memory_space<vmem>> -> memref<1x128x64xf32, #tpu.memory_space<vmem>>
        %dma_start3A_639 = tpu.memref_squeeze %dma_start3A_638 : memref<1x128x64xf32, #tpu.memory_space<vmem>> -> memref<128x64xf32, #tpu.memory_space<vmem>>
        tpu.enqueue_dma source(%dma_start3A_639 : memref<128x64xf32, #tpu.memory_space<vmem>>) target(%dma_start3A_635 : memref<128x64xf32, #tpu.memory_space<hbm>>) target_semaphore(%run_scoped3A_627 : memref<!tpu.dma_semaphore, #tpu.memory_space<semaphore_mem>>)
        %dma_wait3A_640 = arith.constant 0 : i32
        %dma_wait3A_641 = arith.constant 0 : i32
        %dma_wait3A_642 = tpu.memref_slice %arg9[%run_scoped3A_524, %dma_wait3A_640, %dma_wait3A_641] : memref<5x128x64xf32, #tpu.memory_space<vmem>> -> memref<1x128x64xf32, #tpu.memory_space<vmem>>
        %dma_wait3A_643 = tpu.memref_squeeze %dma_wait3A_642 : memref<1x128x64xf32, #tpu.memory_space<vmem>> -> memref<128x64xf32, #tpu.memory_space<vmem>>
        %dma_wait3A_644 = arith.constant 0 : i32
        %dma_wait3A_645 = tpu.memref_slice %arg6[%add3A_523, %dma_wait3A_644] : memref<204800x128xf32, #tpu.memory_space<hbm>> -> memref<128x64xf32, #tpu.memory_space<hbm>>
        %dma_wait3A_646 = arith.constant 0 : i32
        %dma_wait3A_647 = tpu.memref_slice %arg6[%add3A_523, %dma_wait3A_646] : memref<204800x128xf32, #tpu.memory_space<hbm>> -> memref<128x64xf32, #tpu.memory_space<hbm>>
        %dma_wait3A_648 = arith.constant 0 : i32
        %dma_wait3A_649 = arith.constant 0 : i32
        %dma_wait3A_650 = tpu.memref_slice %arg9[%run_scoped3A_524, %dma_wait3A_648, %dma_wait3A_649] : memref<5x128x64xf32, #tpu.memory_space<vmem>> -> memref<1x128x64xf32, #tpu.memory_space<vmem>>
        %dma_wait3A_651 = tpu.memref_squeeze %dma_wait3A_650 : memref<1x128x64xf32, #tpu.memory_space<vmem>> -> memref<128x64xf32, #tpu.memory_space<vmem>>
        tpu.wait_dma2 semaphore(%run_scoped3A_627 : memref<!tpu.dma_semaphore, #tpu.memory_space<semaphore_mem>>) src(%dma_wait3A_651 : memref<128x64xf32, #tpu.memory_space<vmem>>) dst(%dma_wait3A_647 : memref<128x64xf32, #tpu.memory_space<hbm>>)
        tpu.yield
      }) : () -> ()
      %run_scoped3A_525 = arith.constant 3 : i32
      "tpu.region"() ({
        %run_scoped3A_627 = tpu.sem_alloc : memref<!tpu.dma_semaphore, #tpu.memory_space<semaphore_mem>>
        %dma_start3A_628 = arith.constant 0 : i32
        %dma_start3A_629 = arith.constant 0 : i32
        %dma_start3A_630 = tpu.memref_slice %arg10[%run_scoped3A_525, %dma_start3A_628, %dma_start3A_629] : memref<5x128x64xf32, #tpu.memory_space<vmem>> -> memref<1x128x64xf32, #tpu.memory_space<vmem>>
        %dma_start3A_631 = tpu.memref_squeeze %dma_start3A_630 : memref<1x128x64xf32, #tpu.memory_space<vmem>> -> memref<128x64xf32, #tpu.memory_space<vmem>>
        %dma_start3A_632 = arith.constant 64 : i32
        %dma_start3A_633 = tpu.memref_slice %arg6[%add3A_523, %dma_start3A_632] : memref<204800x128xf32, #tpu.memory_space<hbm>> -> memref<128x64xf32, #tpu.memory_space<hbm>>
        %dma_start3A_634 = arith.constant 64 : i32
        %dma_start3A_635 = tpu.memref_slice %arg6[%add3A_523, %dma_start3A_634] : memref<204800x128xf32, #tpu.memory_space<hbm>> -> memref<128x64xf32, #tpu.memory_space<hbm>>
        %dma_start3A_636 = arith.constant 0 : i32
        %dma_start3A_637 = arith.constant 0 : i32
        %dma_start3A_638 = tpu.memref_slice %arg10[%run_scoped3A_525, %dma_start3A_636, %dma_start3A_637] : memref<5x128x64xf32, #tpu.memory_space<vmem>> -> memref<1x128x64xf32, #tpu.memory_space<vmem>>
        %dma_start3A_639 = tpu.memref_squeeze %dma_start3A_638 : memref<1x128x64xf32, #tpu.memory_space<vmem>> -> memref<128x64xf32, #tpu.memory_space<vmem>>
        tpu.enqueue_dma source(%dma_start3A_639 : memref<128x64xf32, #tpu.memory_space<vmem>>) target(%dma_start3A_635 : memref<128x64xf32, #tpu.memory_space<hbm>>) target_semaphore(%run_scoped3A_627 : memref<!tpu.dma_semaphore, #tpu.memory_space<semaphore_mem>>)
        %dma_wait3A_640 = arith.constant 0 : i32
        %dma_wait3A_641 = arith.constant 0 : i32
        %dma_wait3A_642 = tpu.memref_slice %arg10[%run_scoped3A_525, %dma_wait3A_640, %dma_wait3A_641] : memref<5x128x64xf32, #tpu.memory_space<vmem>> -> memref<1x128x64xf32, #tpu.memory_space<vmem>>
        %dma_wait3A_643 = tpu.memref_squeeze %dma_wait3A_642 : memref<1x128x64xf32, #tpu.memory_space<vmem>> -> memref<128x64xf32, #tpu.memory_space<vmem>>
        %dma_wait3A_644 = arith.constant 64 : i32
        %dma_wait3A_645 = tpu.memref_slice %arg6[%add3A_523, %dma_wait3A_644] : memref<204800x128xf32, #tpu.memory_space<hbm>> -> memref<128x64xf32, #tpu.memory_space<hbm>>
        %dma_wait3A_646 = arith.constant 64 : i32
        %dma_wait3A_647 = tpu.memref_slice %arg6[%add3A_523, %dma_wait3A_646] : memref<204800x128xf32, #tpu.memory_space<hbm>> -> memref<128x64xf32, #tpu.memory_space<hbm>>
        %dma_wait3A_648 = arith.constant 0 : i32
        %dma_wait3A_649 = arith.constant 0 : i32
        %dma_wait3A_650 = tpu.memref_slice %arg10[%run_scoped3A_525, %dma_wait3A_648, %dma_wait3A_649] : memref<5x128x64xf32, #tpu.memory_space<vmem>> -> memref<1x128x64xf32, #tpu.memory_space<vmem>>
        %dma_wait3A_651 = tpu.memref_squeeze %dma_wait3A_650 : memref<1x128x64xf32, #tpu.memory_space<vmem>> -> memref<128x64xf32, #tpu.memory_space<vmem>>
        tpu.wait_dma2 semaphore(%run_scoped3A_627 : memref<!tpu.dma_semaphore, #tpu.memory_space<semaphore_mem>>) src(%dma_wait3A_651 : memref<128x64xf32, #tpu.memory_space<vmem>>) dst(%dma_wait3A_647 : memref<128x64xf32, #tpu.memory_space<hbm>>)
        tpu.yield
      }) : () -> ()
      %add3A_526 = arith.constant 3 : i32
      %add3A_527 = arith.addi %mul3A_292, %add3A_526 : i32
      %add3A_528 = arith.constant 5 : i32
      %add3A_529 = arith.addi %add3A_527, %add3A_528 : i32
      %min3A_530 = arith.constant 49 : i32
      %min3A_531 = arith.minsi %add3A_529, %min3A_530 : i32
      %mul3A_532 = arith.constant 128 : i32
      %mul3A_533 = arith.muli %min3A_531, %mul3A_532 : i32
      %dma_start3A_534 = arith.constant 3 : i32
      %dma_start3A_535 = arith.constant 3 : i32
      %dma_start3A_536 = arith.constant 0 : i32
      %dma_start3A_537 = arith.constant 0 : i32
      %dma_start3A_538 = tpu.memref_slice %arg9[%dma_start3A_534, %dma_start3A_536, %dma_start3A_537] : memref<5x128x64xf32, #tpu.memory_space<vmem>> -> memref<1x128x64xf32, #tpu.memory_space<vmem>>
      %dma_start3A_539 = tpu.memref_squeeze %dma_start3A_538 : memref<1x128x64xf32, #tpu.memory_space<vmem>> -> memref<128x64xf32, #tpu.memory_space<vmem>>
      %dma_start3A_540 = tpu.memref_slice %arg7[%mul3A_533] : memref<6400xi32, #tpu.memory_space<vmem>> -> memref<128xi32, #tpu.memory_space<vmem>>
      %dma_start3A_541 = arith.constant 0 : i32
      %dma_start3A_542 = arith.constant 0 : i32
      %dma_start3A_543 = tpu.memref_slice %arg4[%dma_start3A_541, %dma_start3A_542] : memref<200016x64xf32, #tpu.memory_space<hbm>> -> memref<200016x64xf32, #tpu.memory_space<hbm>>
      %dma_start3A_544 = tpu.memref_slice %arg11[%dma_start3A_535] : memref<5x!tpu.dma_semaphore, #tpu.memory_space<semaphore_mem>> -> memref<1x!tpu.dma_semaphore, #tpu.memory_space<semaphore_mem>>
      %dma_start3A_545 = tpu.memref_squeeze %dma_start3A_544 : memref<1x!tpu.dma_semaphore, #tpu.memory_space<semaphore_mem>> -> memref<!tpu.dma_semaphore, #tpu.memory_space<semaphore_mem>>
      tpu.enqueue_indirect_dma source(%dma_start3A_543 : memref<200016x64xf32, #tpu.memory_space<hbm>>) target(%dma_start3A_539 : memref<128x64xf32, #tpu.memory_space<vmem>>) offsets(%dma_start3A_540 : memref<128xi32, #tpu.memory_space<vmem>>) semaphore(%dma_start3A_545 : memref<!tpu.dma_semaphore, #tpu.memory_space<semaphore_mem>>)
      %mul3A_546 = arith.constant 128 : i32
      %mul3A_547 = arith.muli %min3A_531, %mul3A_546 : i32
      %dma_start3A_548 = arith.constant 3 : i32
      %dma_start3A_549 = arith.constant 3 : i32
      %dma_start3A_550 = arith.constant 0 : i32
      %dma_start3A_551 = arith.constant 0 : i32
      %dma_start3A_552 = tpu.memref_slice %arg10[%dma_start3A_548, %dma_start3A_550, %dma_start3A_551] : memref<5x128x64xf32, #tpu.memory_space<vmem>> -> memref<1x128x64xf32, #tpu.memory_space<vmem>>
      %dma_start3A_553 = tpu.memref_squeeze %dma_start3A_552 : memref<1x128x64xf32, #tpu.memory_space<vmem>> -> memref<128x64xf32, #tpu.memory_space<vmem>>
      %dma_start3A_554 = tpu.memref_slice %arg8[%mul3A_547] : memref<6400xi32, #tpu.memory_space<vmem>> -> memref<128xi32, #tpu.memory_space<vmem>>
      %dma_start3A_555 = arith.constant 0 : i32
      %dma_start3A_556 = arith.constant 0 : i32
      %dma_start3A_557 = tpu.memref_slice %arg5[%dma_start3A_555, %dma_start3A_556] : memref<2016x64xf32, #tpu.memory_space<hbm>> -> memref<2016x64xf32, #tpu.memory_space<hbm>>
      %dma_start3A_558 = tpu.memref_slice %arg12[%dma_start3A_549] : memref<5x!tpu.dma_semaphore, #tpu.memory_space<semaphore_mem>> -> memref<1x!tpu.dma_semaphore, #tpu.memory_space<semaphore_mem>>
      %dma_start3A_559 = tpu.memref_squeeze %dma_start3A_558 : memref<1x!tpu.dma_semaphore, #tpu.memory_space<semaphore_mem>> -> memref<!tpu.dma_semaphore, #tpu.memory_space<semaphore_mem>>
      tpu.enqueue_indirect_dma source(%dma_start3A_557 : memref<2016x64xf32, #tpu.memory_space<hbm>>) target(%dma_start3A_553 : memref<128x64xf32, #tpu.memory_space<vmem>>) offsets(%dma_start3A_554 : memref<128xi32, #tpu.memory_space<vmem>>) semaphore(%dma_start3A_559 : memref<!tpu.dma_semaphore, #tpu.memory_space<semaphore_mem>>)
      %add3A_560 = arith.constant 4 : i32
      %add3A_561 = arith.addi %mul3A_292, %add3A_560 : i32
      %dma_wait3A_562 = arith.constant 4 : i32
      %dma_wait3A_563 = arith.constant 4 : i32
      %dma_wait3A_564 = arith.constant 0 : i32
      %dma_wait3A_565 = arith.constant 0 : i32
      %dma_wait3A_566 = tpu.memref_slice %arg9[%dma_wait3A_562, %dma_wait3A_564, %dma_wait3A_565] : memref<5x128x64xf32, #tpu.memory_space<vmem>> -> memref<1x128x64xf32, #tpu.memory_space<vmem>>
      %dma_wait3A_567 = tpu.memref_squeeze %dma_wait3A_566 : memref<1x128x64xf32, #tpu.memory_space<vmem>> -> memref<128x64xf32, #tpu.memory_space<vmem>>
      %dma_wait3A_568 = arith.constant 0 : i32
      %dma_wait3A_569 = tpu.memref_slice %arg7[%dma_wait3A_568] : memref<6400xi32, #tpu.memory_space<vmem>> -> memref<128xi32, #tpu.memory_space<vmem>>
      %dma_wait3A_570 = arith.constant 0 : i32
      %dma_wait3A_571 = arith.constant 0 : i32
      %dma_wait3A_572 = tpu.memref_slice %arg4[%dma_wait3A_570, %dma_wait3A_571] : memref<200016x64xf32, #tpu.memory_space<hbm>> -> memref<200016x64xf32, #tpu.memory_space<hbm>>
      %dma_wait3A_573 = tpu.memref_slice %arg11[%dma_wait3A_563] : memref<5x!tpu.dma_semaphore, #tpu.memory_space<semaphore_mem>> -> memref<1x!tpu.dma_semaphore, #tpu.memory_space<semaphore_mem>>
      %dma_wait3A_574 = tpu.memref_squeeze %dma_wait3A_573 : memref<1x!tpu.dma_semaphore, #tpu.memory_space<semaphore_mem>> -> memref<!tpu.dma_semaphore, #tpu.memory_space<semaphore_mem>>
      tpu.wait_indirect_dma semaphore(%dma_wait3A_574 : memref<!tpu.dma_semaphore, #tpu.memory_space<semaphore_mem>>) src(%dma_wait3A_572 : memref<200016x64xf32, #tpu.memory_space<hbm>>) dst(%dma_wait3A_567 : memref<128x64xf32, #tpu.memory_space<vmem>>)
      %dma_wait3A_575 = arith.constant 4 : i32
      %dma_wait3A_576 = arith.constant 4 : i32
      %dma_wait3A_577 = arith.constant 0 : i32
      %dma_wait3A_578 = arith.constant 0 : i32
      %dma_wait3A_579 = tpu.memref_slice %arg10[%dma_wait3A_575, %dma_wait3A_577, %dma_wait3A_578] : memref<5x128x64xf32, #tpu.memory_space<vmem>> -> memref<1x128x64xf32, #tpu.memory_space<vmem>>
      %dma_wait3A_580 = tpu.memref_squeeze %dma_wait3A_579 : memref<1x128x64xf32, #tpu.memory_space<vmem>> -> memref<128x64xf32, #tpu.memory_space<vmem>>
      %dma_wait3A_581 = arith.constant 0 : i32
      %dma_wait3A_582 = tpu.memref_slice %arg8[%dma_wait3A_581] : memref<6400xi32, #tpu.memory_space<vmem>> -> memref<128xi32, #tpu.memory_space<vmem>>
      %dma_wait3A_583 = arith.constant 0 : i32
      %dma_wait3A_584 = arith.constant 0 : i32
      %dma_wait3A_585 = tpu.memref_slice %arg5[%dma_wait3A_583, %dma_wait3A_584] : memref<2016x64xf32, #tpu.memory_space<hbm>> -> memref<2016x64xf32, #tpu.memory_space<hbm>>
      %dma_wait3A_586 = tpu.memref_slice %arg12[%dma_wait3A_576] : memref<5x!tpu.dma_semaphore, #tpu.memory_space<semaphore_mem>> -> memref<1x!tpu.dma_semaphore, #tpu.memory_space<semaphore_mem>>
      %dma_wait3A_587 = tpu.memref_squeeze %dma_wait3A_586 : memref<1x!tpu.dma_semaphore, #tpu.memory_space<semaphore_mem>> -> memref<!tpu.dma_semaphore, #tpu.memory_space<semaphore_mem>>
      tpu.wait_indirect_dma semaphore(%dma_wait3A_587 : memref<!tpu.dma_semaphore, #tpu.memory_space<semaphore_mem>>) src(%dma_wait3A_585 : memref<2016x64xf32, #tpu.memory_space<hbm>>) dst(%dma_wait3A_580 : memref<128x64xf32, #tpu.memory_space<vmem>>)
      %mul3A_588 = arith.constant 128 : i32
      %mul3A_589 = arith.muli %add3A_561, %mul3A_588 : i32
      %add3A_590 = arith.addi %mul3A_2, %mul3A_589 : i32
      %run_scoped3A_591 = arith.constant 4 : i32
      "tpu.region"() ({
        %run_scoped3A_627 = tpu.sem_alloc : memref<!tpu.dma_semaphore, #tpu.memory_space<semaphore_mem>>
        %dma_start3A_628 = arith.constant 0 : i32
        %dma_start3A_629 = arith.constant 0 : i32
        %dma_start3A_630 = tpu.memref_slice %arg9[%run_scoped3A_591, %dma_start3A_628, %dma_start3A_629] : memref<5x128x64xf32, #tpu.memory_space<vmem>> -> memref<1x128x64xf32, #tpu.memory_space<vmem>>
        %dma_start3A_631 = tpu.memref_squeeze %dma_start3A_630 : memref<1x128x64xf32, #tpu.memory_space<vmem>> -> memref<128x64xf32, #tpu.memory_space<vmem>>
        %dma_start3A_632 = arith.constant 0 : i32
        %dma_start3A_633 = tpu.memref_slice %arg6[%add3A_590, %dma_start3A_632] : memref<204800x128xf32, #tpu.memory_space<hbm>> -> memref<128x64xf32, #tpu.memory_space<hbm>>
        %dma_start3A_634 = arith.constant 0 : i32
        %dma_start3A_635 = tpu.memref_slice %arg6[%add3A_590, %dma_start3A_634] : memref<204800x128xf32, #tpu.memory_space<hbm>> -> memref<128x64xf32, #tpu.memory_space<hbm>>
        %dma_start3A_636 = arith.constant 0 : i32
        %dma_start3A_637 = arith.constant 0 : i32
        %dma_start3A_638 = tpu.memref_slice %arg9[%run_scoped3A_591, %dma_start3A_636, %dma_start3A_637] : memref<5x128x64xf32, #tpu.memory_space<vmem>> -> memref<1x128x64xf32, #tpu.memory_space<vmem>>
        %dma_start3A_639 = tpu.memref_squeeze %dma_start3A_638 : memref<1x128x64xf32, #tpu.memory_space<vmem>> -> memref<128x64xf32, #tpu.memory_space<vmem>>
        tpu.enqueue_dma source(%dma_start3A_639 : memref<128x64xf32, #tpu.memory_space<vmem>>) target(%dma_start3A_635 : memref<128x64xf32, #tpu.memory_space<hbm>>) target_semaphore(%run_scoped3A_627 : memref<!tpu.dma_semaphore, #tpu.memory_space<semaphore_mem>>)
        %dma_wait3A_640 = arith.constant 0 : i32
        %dma_wait3A_641 = arith.constant 0 : i32
        %dma_wait3A_642 = tpu.memref_slice %arg9[%run_scoped3A_591, %dma_wait3A_640, %dma_wait3A_641] : memref<5x128x64xf32, #tpu.memory_space<vmem>> -> memref<1x128x64xf32, #tpu.memory_space<vmem>>
        %dma_wait3A_643 = tpu.memref_squeeze %dma_wait3A_642 : memref<1x128x64xf32, #tpu.memory_space<vmem>> -> memref<128x64xf32, #tpu.memory_space<vmem>>
        %dma_wait3A_644 = arith.constant 0 : i32
        %dma_wait3A_645 = tpu.memref_slice %arg6[%add3A_590, %dma_wait3A_644] : memref<204800x128xf32, #tpu.memory_space<hbm>> -> memref<128x64xf32, #tpu.memory_space<hbm>>
        %dma_wait3A_646 = arith.constant 0 : i32
        %dma_wait3A_647 = tpu.memref_slice %arg6[%add3A_590, %dma_wait3A_646] : memref<204800x128xf32, #tpu.memory_space<hbm>> -> memref<128x64xf32, #tpu.memory_space<hbm>>
        %dma_wait3A_648 = arith.constant 0 : i32
        %dma_wait3A_649 = arith.constant 0 : i32
        %dma_wait3A_650 = tpu.memref_slice %arg9[%run_scoped3A_591, %dma_wait3A_648, %dma_wait3A_649] : memref<5x128x64xf32, #tpu.memory_space<vmem>> -> memref<1x128x64xf32, #tpu.memory_space<vmem>>
        %dma_wait3A_651 = tpu.memref_squeeze %dma_wait3A_650 : memref<1x128x64xf32, #tpu.memory_space<vmem>> -> memref<128x64xf32, #tpu.memory_space<vmem>>
        tpu.wait_dma2 semaphore(%run_scoped3A_627 : memref<!tpu.dma_semaphore, #tpu.memory_space<semaphore_mem>>) src(%dma_wait3A_651 : memref<128x64xf32, #tpu.memory_space<vmem>>) dst(%dma_wait3A_647 : memref<128x64xf32, #tpu.memory_space<hbm>>)
        tpu.yield
      }) : () -> ()
      %run_scoped3A_592 = arith.constant 4 : i32
      "tpu.region"() ({
        %run_scoped3A_627 = tpu.sem_alloc : memref<!tpu.dma_semaphore, #tpu.memory_space<semaphore_mem>>
        %dma_start3A_628 = arith.constant 0 : i32
        %dma_start3A_629 = arith.constant 0 : i32
        %dma_start3A_630 = tpu.memref_slice %arg10[%run_scoped3A_592, %dma_start3A_628, %dma_start3A_629] : memref<5x128x64xf32, #tpu.memory_space<vmem>> -> memref<1x128x64xf32, #tpu.memory_space<vmem>>
        %dma_start3A_631 = tpu.memref_squeeze %dma_start3A_630 : memref<1x128x64xf32, #tpu.memory_space<vmem>> -> memref<128x64xf32, #tpu.memory_space<vmem>>
        %dma_start3A_632 = arith.constant 64 : i32
        %dma_start3A_633 = tpu.memref_slice %arg6[%add3A_590, %dma_start3A_632] : memref<204800x128xf32, #tpu.memory_space<hbm>> -> memref<128x64xf32, #tpu.memory_space<hbm>>
        %dma_start3A_634 = arith.constant 64 : i32
        %dma_start3A_635 = tpu.memref_slice %arg6[%add3A_590, %dma_start3A_634] : memref<204800x128xf32, #tpu.memory_space<hbm>> -> memref<128x64xf32, #tpu.memory_space<hbm>>
        %dma_start3A_636 = arith.constant 0 : i32
        %dma_start3A_637 = arith.constant 0 : i32
        %dma_start3A_638 = tpu.memref_slice %arg10[%run_scoped3A_592, %dma_start3A_636, %dma_start3A_637] : memref<5x128x64xf32, #tpu.memory_space<vmem>> -> memref<1x128x64xf32, #tpu.memory_space<vmem>>
        %dma_start3A_639 = tpu.memref_squeeze %dma_start3A_638 : memref<1x128x64xf32, #tpu.memory_space<vmem>> -> memref<128x64xf32, #tpu.memory_space<vmem>>
        tpu.enqueue_dma source(%dma_start3A_639 : memref<128x64xf32, #tpu.memory_space<vmem>>) target(%dma_start3A_635 : memref<128x64xf32, #tpu.memory_space<hbm>>) target_semaphore(%run_scoped3A_627 : memref<!tpu.dma_semaphore, #tpu.memory_space<semaphore_mem>>)
        %dma_wait3A_640 = arith.constant 0 : i32
        %dma_wait3A_641 = arith.constant 0 : i32
        %dma_wait3A_642 = tpu.memref_slice %arg10[%run_scoped3A_592, %dma_wait3A_640, %dma_wait3A_641] : memref<5x128x64xf32, #tpu.memory_space<vmem>> -> memref<1x128x64xf32, #tpu.memory_space<vmem>>
        %dma_wait3A_643 = tpu.memref_squeeze %dma_wait3A_642 : memref<1x128x64xf32, #tpu.memory_space<vmem>> -> memref<128x64xf32, #tpu.memory_space<vmem>>
        %dma_wait3A_644 = arith.constant 64 : i32
        %dma_wait3A_645 = tpu.memref_slice %arg6[%add3A_590, %dma_wait3A_644] : memref<204800x128xf32, #tpu.memory_space<hbm>> -> memref<128x64xf32, #tpu.memory_space<hbm>>
        %dma_wait3A_646 = arith.constant 64 : i32
        %dma_wait3A_647 = tpu.memref_slice %arg6[%add3A_590, %dma_wait3A_646] : memref<204800x128xf32, #tpu.memory_space<hbm>> -> memref<128x64xf32, #tpu.memory_space<hbm>>
        %dma_wait3A_648 = arith.constant 0 : i32
        %dma_wait3A_649 = arith.constant 0 : i32
        %dma_wait3A_650 = tpu.memref_slice %arg10[%run_scoped3A_592, %dma_wait3A_648, %dma_wait3A_649] : memref<5x128x64xf32, #tpu.memory_space<vmem>> -> memref<1x128x64xf32, #tpu.memory_space<vmem>>
        %dma_wait3A_651 = tpu.memref_squeeze %dma_wait3A_650 : memref<1x128x64xf32, #tpu.memory_space<vmem>> -> memref<128x64xf32, #tpu.memory_space<vmem>>
        tpu.wait_dma2 semaphore(%run_scoped3A_627 : memref<!tpu.dma_semaphore, #tpu.memory_space<semaphore_mem>>) src(%dma_wait3A_651 : memref<128x64xf32, #tpu.memory_space<vmem>>) dst(%dma_wait3A_647 : memref<128x64xf32, #tpu.memory_space<hbm>>)
        tpu.yield
      }) : () -> ()
      %add3A_593 = arith.constant 4 : i32
      %add3A_594 = arith.addi %mul3A_292, %add3A_593 : i32
      %add3A_595 = arith.constant 5 : i32
      %add3A_596 = arith.addi %add3A_594, %add3A_595 : i32
      %min3A_597 = arith.constant 49 : i32
      %min3A_598 = arith.minsi %add3A_596, %min3A_597 : i32
      %mul3A_599 = arith.constant 128 : i32
      %mul3A_600 = arith.muli %min3A_598, %mul3A_599 : i32
      %dma_start3A_601 = arith.constant 4 : i32
      %dma_start3A_602 = arith.constant 4 : i32
      %dma_start3A_603 = arith.constant 0 : i32
      %dma_start3A_604 = arith.constant 0 : i32
      %dma_start3A_605 = tpu.memref_slice %arg9[%dma_start3A_601, %dma_start3A_603, %dma_start3A_604] : memref<5x128x64xf32, #tpu.memory_space<vmem>> -> memref<1x128x64xf32, #tpu.memory_space<vmem>>
      %dma_start3A_606 = tpu.memref_squeeze %dma_start3A_605 : memref<1x128x64xf32, #tpu.memory_space<vmem>> -> memref<128x64xf32, #tpu.memory_space<vmem>>
      %dma_start3A_607 = tpu.memref_slice %arg7[%mul3A_600] : memref<6400xi32, #tpu.memory_space<vmem>> -> memref<128xi32, #tpu.memory_space<vmem>>
      %dma_start3A_608 = arith.constant 0 : i32
      %dma_start3A_609 = arith.constant 0 : i32
      %dma_start3A_610 = tpu.memref_slice %arg4[%dma_start3A_608, %dma_start3A_609] : memref<200016x64xf32, #tpu.memory_space<hbm>> -> memref<200016x64xf32, #tpu.memory_space<hbm>>
      %dma_start3A_611 = tpu.memref_slice %arg11[%dma_start3A_602] : memref<5x!tpu.dma_semaphore, #tpu.memory_space<semaphore_mem>> -> memref<1x!tpu.dma_semaphore, #tpu.memory_space<semaphore_mem>>
      %dma_start3A_612 = tpu.memref_squeeze %dma_start3A_611 : memref<1x!tpu.dma_semaphore, #tpu.memory_space<semaphore_mem>> -> memref<!tpu.dma_semaphore, #tpu.memory_space<semaphore_mem>>
      tpu.enqueue_indirect_dma source(%dma_start3A_610 : memref<200016x64xf32, #tpu.memory_space<hbm>>) target(%dma_start3A_606 : memref<128x64xf32, #tpu.memory_space<vmem>>) offsets(%dma_start3A_607 : memref<128xi32, #tpu.memory_space<vmem>>) semaphore(%dma_start3A_612 : memref<!tpu.dma_semaphore, #tpu.memory_space<semaphore_mem>>)
      %mul3A_613 = arith.constant 128 : i32
      %mul3A_614 = arith.muli %min3A_598, %mul3A_613 : i32
      %dma_start3A_615 = arith.constant 4 : i32
      %dma_start3A_616 = arith.constant 4 : i32
      %dma_start3A_617 = arith.constant 0 : i32
      %dma_start3A_618 = arith.constant 0 : i32
      %dma_start3A_619 = tpu.memref_slice %arg10[%dma_start3A_615, %dma_start3A_617, %dma_start3A_618] : memref<5x128x64xf32, #tpu.memory_space<vmem>> -> memref<1x128x64xf32, #tpu.memory_space<vmem>>
      %dma_start3A_620 = tpu.memref_squeeze %dma_start3A_619 : memref<1x128x64xf32, #tpu.memory_space<vmem>> -> memref<128x64xf32, #tpu.memory_space<vmem>>
      %dma_start3A_621 = tpu.memref_slice %arg8[%mul3A_614] : memref<6400xi32, #tpu.memory_space<vmem>> -> memref<128xi32, #tpu.memory_space<vmem>>
      %dma_start3A_622 = arith.constant 0 : i32
      %dma_start3A_623 = arith.constant 0 : i32
      %dma_start3A_624 = tpu.memref_slice %arg5[%dma_start3A_622, %dma_start3A_623] : memref<2016x64xf32, #tpu.memory_space<hbm>> -> memref<2016x64xf32, #tpu.memory_space<hbm>>
      %dma_start3A_625 = tpu.memref_slice %arg12[%dma_start3A_616] : memref<5x!tpu.dma_semaphore, #tpu.memory_space<semaphore_mem>> -> memref<1x!tpu.dma_semaphore, #tpu.memory_space<semaphore_mem>>
      %dma_start3A_626 = tpu.memref_squeeze %dma_start3A_625 : memref<1x!tpu.dma_semaphore, #tpu.memory_space<semaphore_mem>> -> memref<!tpu.dma_semaphore, #tpu.memory_space<semaphore_mem>>
      tpu.enqueue_indirect_dma source(%dma_start3A_624 : memref<2016x64xf32, #tpu.memory_space<hbm>>) target(%dma_start3A_620 : memref<128x64xf32, #tpu.memory_space<vmem>>) offsets(%dma_start3A_621 : memref<128xi32, #tpu.memory_space<vmem>>) semaphore(%dma_start3A_626 : memref<!tpu.dma_semaphore, #tpu.memory_space<semaphore_mem>>)
    }
    %scan3A_160 = arith.constant 10 : i32
    %dma_wait3A = arith.constant 0 : i32
    %dma_wait3A_161 = arith.constant 0 : i32
    %dma_wait3A_162 = arith.constant 0 : i32
    %dma_wait3A_163 = arith.constant 0 : i32
    %dma_wait3A_164 = tpu.memref_slice %arg9[%dma_wait3A, %dma_wait3A_162, %dma_wait3A_163] : memref<5x128x64xf32, #tpu.memory_space<vmem>> -> memref<1x128x64xf32, #tpu.memory_space<vmem>>
    %dma_wait3A_165 = tpu.memref_squeeze %dma_wait3A_164 : memref<1x128x64xf32, #tpu.memory_space<vmem>> -> memref<128x64xf32, #tpu.memory_space<vmem>>
    %dma_wait3A_166 = arith.constant 0 : i32
    %dma_wait3A_167 = tpu.memref_slice %arg7[%dma_wait3A_166] : memref<6400xi32, #tpu.memory_space<vmem>> -> memref<128xi32, #tpu.memory_space<vmem>>
    %dma_wait3A_168 = arith.constant 0 : i32
    %dma_wait3A_169 = arith.constant 0 : i32
    %dma_wait3A_170 = tpu.memref_slice %arg4[%dma_wait3A_168, %dma_wait3A_169] : memref<200016x64xf32, #tpu.memory_space<hbm>> -> memref<200016x64xf32, #tpu.memory_space<hbm>>
    %dma_wait3A_171 = tpu.memref_slice %arg11[%dma_wait3A_161] : memref<5x!tpu.dma_semaphore, #tpu.memory_space<semaphore_mem>> -> memref<1x!tpu.dma_semaphore, #tpu.memory_space<semaphore_mem>>
    %dma_wait3A_172 = tpu.memref_squeeze %dma_wait3A_171 : memref<1x!tpu.dma_semaphore, #tpu.memory_space<semaphore_mem>> -> memref<!tpu.dma_semaphore, #tpu.memory_space<semaphore_mem>>
    tpu.wait_indirect_dma semaphore(%dma_wait3A_172 : memref<!tpu.dma_semaphore, #tpu.memory_space<semaphore_mem>>) src(%dma_wait3A_170 : memref<200016x64xf32, #tpu.memory_space<hbm>>) dst(%dma_wait3A_165 : memref<128x64xf32, #tpu.memory_space<vmem>>)
    %dma_wait3A_173 = arith.constant 0 : i32
    %dma_wait3A_174 = arith.constant 0 : i32
    %dma_wait3A_175 = arith.constant 0 : i32
    %dma_wait3A_176 = arith.constant 0 : i32
    %dma_wait3A_177 = tpu.memref_slice %arg10[%dma_wait3A_173, %dma_wait3A_175, %dma_wait3A_176] : memref<5x128x64xf32, #tpu.memory_space<vmem>> -> memref<1x128x64xf32, #tpu.memory_space<vmem>>
    %dma_wait3A_178 = tpu.memref_squeeze %dma_wait3A_177 : memref<1x128x64xf32, #tpu.memory_space<vmem>> -> memref<128x64xf32, #tpu.memory_space<vmem>>
    %dma_wait3A_179 = arith.constant 0 : i32
    %dma_wait3A_180 = tpu.memref_slice %arg8[%dma_wait3A_179] : memref<6400xi32, #tpu.memory_space<vmem>> -> memref<128xi32, #tpu.memory_space<vmem>>
    %dma_wait3A_181 = arith.constant 0 : i32
    %dma_wait3A_182 = arith.constant 0 : i32
    %dma_wait3A_183 = tpu.memref_slice %arg5[%dma_wait3A_181, %dma_wait3A_182] : memref<2016x64xf32, #tpu.memory_space<hbm>> -> memref<2016x64xf32, #tpu.memory_space<hbm>>
    %dma_wait3A_184 = tpu.memref_slice %arg12[%dma_wait3A_174] : memref<5x!tpu.dma_semaphore, #tpu.memory_space<semaphore_mem>> -> memref<1x!tpu.dma_semaphore, #tpu.memory_space<semaphore_mem>>
    %dma_wait3A_185 = tpu.memref_squeeze %dma_wait3A_184 : memref<1x!tpu.dma_semaphore, #tpu.memory_space<semaphore_mem>> -> memref<!tpu.dma_semaphore, #tpu.memory_space<semaphore_mem>>
    tpu.wait_indirect_dma semaphore(%dma_wait3A_185 : memref<!tpu.dma_semaphore, #tpu.memory_space<semaphore_mem>>) src(%dma_wait3A_183 : memref<2016x64xf32, #tpu.memory_space<hbm>>) dst(%dma_wait3A_178 : memref<128x64xf32, #tpu.memory_space<vmem>>)
    %dma_wait3A_186 = arith.constant 1 : i32
    %dma_wait3A_187 = arith.constant 1 : i32
    %dma_wait3A_188 = arith.constant 0 : i32
    %dma_wait3A_189 = arith.constant 0 : i32
    %dma_wait3A_190 = tpu.memref_slice %arg9[%dma_wait3A_186, %dma_wait3A_188, %dma_wait3A_189] : memref<5x128x64xf32, #tpu.memory_space<vmem>> -> memref<1x128x64xf32, #tpu.memory_space<vmem>>
    %dma_wait3A_191 = tpu.memref_squeeze %dma_wait3A_190 : memref<1x128x64xf32, #tpu.memory_space<vmem>> -> memref<128x64xf32, #tpu.memory_space<vmem>>
    %dma_wait3A_192 = arith.constant 0 : i32
    %dma_wait3A_193 = tpu.memref_slice %arg7[%dma_wait3A_192] : memref<6400xi32, #tpu.memory_space<vmem>> -> memref<128xi32, #tpu.memory_space<vmem>>
    %dma_wait3A_194 = arith.constant 0 : i32
    %dma_wait3A_195 = arith.constant 0 : i32
    %dma_wait3A_196 = tpu.memref_slice %arg4[%dma_wait3A_194, %dma_wait3A_195] : memref<200016x64xf32, #tpu.memory_space<hbm>> -> memref<200016x64xf32, #tpu.memory_space<hbm>>
    %dma_wait3A_197 = tpu.memref_slice %arg11[%dma_wait3A_187] : memref<5x!tpu.dma_semaphore, #tpu.memory_space<semaphore_mem>> -> memref<1x!tpu.dma_semaphore, #tpu.memory_space<semaphore_mem>>
    %dma_wait3A_198 = tpu.memref_squeeze %dma_wait3A_197 : memref<1x!tpu.dma_semaphore, #tpu.memory_space<semaphore_mem>> -> memref<!tpu.dma_semaphore, #tpu.memory_space<semaphore_mem>>
    tpu.wait_indirect_dma semaphore(%dma_wait3A_198 : memref<!tpu.dma_semaphore, #tpu.memory_space<semaphore_mem>>) src(%dma_wait3A_196 : memref<200016x64xf32, #tpu.memory_space<hbm>>) dst(%dma_wait3A_191 : memref<128x64xf32, #tpu.memory_space<vmem>>)
    %dma_wait3A_199 = arith.constant 1 : i32
    %dma_wait3A_200 = arith.constant 1 : i32
    %dma_wait3A_201 = arith.constant 0 : i32
    %dma_wait3A_202 = arith.constant 0 : i32
    %dma_wait3A_203 = tpu.memref_slice %arg10[%dma_wait3A_199, %dma_wait3A_201, %dma_wait3A_202] : memref<5x128x64xf32, #tpu.memory_space<vmem>> -> memref<1x128x64xf32, #tpu.memory_space<vmem>>
    %dma_wait3A_204 = tpu.memref_squeeze %dma_wait3A_203 : memref<1x128x64xf32, #tpu.memory_space<vmem>> -> memref<128x64xf32, #tpu.memory_space<vmem>>
    %dma_wait3A_205 = arith.constant 0 : i32
    %dma_wait3A_206 = tpu.memref_slice %arg8[%dma_wait3A_205] : memref<6400xi32, #tpu.memory_space<vmem>> -> memref<128xi32, #tpu.memory_space<vmem>>
    %dma_wait3A_207 = arith.constant 0 : i32
    %dma_wait3A_208 = arith.constant 0 : i32
    %dma_wait3A_209 = tpu.memref_slice %arg5[%dma_wait3A_207, %dma_wait3A_208] : memref<2016x64xf32, #tpu.memory_space<hbm>> -> memref<2016x64xf32, #tpu.memory_space<hbm>>
    %dma_wait3A_210 = tpu.memref_slice %arg12[%dma_wait3A_200] : memref<5x!tpu.dma_semaphore, #tpu.memory_space<semaphore_mem>> -> memref<1x!tpu.dma_semaphore, #tpu.memory_space<semaphore_mem>>
    %dma_wait3A_211 = tpu.memref_squeeze %dma_wait3A_210 : memref<1x!tpu.dma_semaphore, #tpu.memory_space<semaphore_mem>> -> memref<!tpu.dma_semaphore, #tpu.memory_space<semaphore_mem>>
    tpu.wait_indirect_dma semaphore(%dma_wait3A_211 : memref<!tpu.dma_semaphore, #tpu.memory_space<semaphore_mem>>) src(%dma_wait3A_209 : memref<2016x64xf32, #tpu.memory_space<hbm>>) dst(%dma_wait3A_204 : memref<128x64xf32, #tpu.memory_space<vmem>>)
    %dma_wait3A_212 = arith.constant 2 : i32
    %dma_wait3A_213 = arith.constant 2 : i32
    %dma_wait3A_214 = arith.constant 0 : i32
    %dma_wait3A_215 = arith.constant 0 : i32
    %dma_wait3A_216 = tpu.memref_slice %arg9[%dma_wait3A_212, %dma_wait3A_214, %dma_wait3A_215] : memref<5x128x64xf32, #tpu.memory_space<vmem>> -> memref<1x128x64xf32, #tpu.memory_space<vmem>>
    %dma_wait3A_217 = tpu.memref_squeeze %dma_wait3A_216 : memref<1x128x64xf32, #tpu.memory_space<vmem>> -> memref<128x64xf32, #tpu.memory_space<vmem>>
    %dma_wait3A_218 = arith.constant 0 : i32
    %dma_wait3A_219 = tpu.memref_slice %arg7[%dma_wait3A_218] : memref<6400xi32, #tpu.memory_space<vmem>> -> memref<128xi32, #tpu.memory_space<vmem>>
    %dma_wait3A_220 = arith.constant 0 : i32
    %dma_wait3A_221 = arith.constant 0 : i32
    %dma_wait3A_222 = tpu.memref_slice %arg4[%dma_wait3A_220, %dma_wait3A_221] : memref<200016x64xf32, #tpu.memory_space<hbm>> -> memref<200016x64xf32, #tpu.memory_space<hbm>>
    %dma_wait3A_223 = tpu.memref_slice %arg11[%dma_wait3A_213] : memref<5x!tpu.dma_semaphore, #tpu.memory_space<semaphore_mem>> -> memref<1x!tpu.dma_semaphore, #tpu.memory_space<semaphore_mem>>
    %dma_wait3A_224 = tpu.memref_squeeze %dma_wait3A_223 : memref<1x!tpu.dma_semaphore, #tpu.memory_space<semaphore_mem>> -> memref<!tpu.dma_semaphore, #tpu.memory_space<semaphore_mem>>
    tpu.wait_indirect_dma semaphore(%dma_wait3A_224 : memref<!tpu.dma_semaphore, #tpu.memory_space<semaphore_mem>>) src(%dma_wait3A_222 : memref<200016x64xf32, #tpu.memory_space<hbm>>) dst(%dma_wait3A_217 : memref<128x64xf32, #tpu.memory_space<vmem>>)
    %dma_wait3A_225 = arith.constant 2 : i32
    %dma_wait3A_226 = arith.constant 2 : i32
    %dma_wait3A_227 = arith.constant 0 : i32
    %dma_wait3A_228 = arith.constant 0 : i32
    %dma_wait3A_229 = tpu.memref_slice %arg10[%dma_wait3A_225, %dma_wait3A_227, %dma_wait3A_228] : memref<5x128x64xf32, #tpu.memory_space<vmem>> -> memref<1x128x64xf32, #tpu.memory_space<vmem>>
    %dma_wait3A_230 = tpu.memref_squeeze %dma_wait3A_229 : memref<1x128x64xf32, #tpu.memory_space<vmem>> -> memref<128x64xf32, #tpu.memory_space<vmem>>
    %dma_wait3A_231 = arith.constant 0 : i32
    %dma_wait3A_232 = tpu.memref_slice %arg8[%dma_wait3A_231] : memref<6400xi32, #tpu.memory_space<vmem>> -> memref<128xi32, #tpu.memory_space<vmem>>
    %dma_wait3A_233 = arith.constant 0 : i32
    %dma_wait3A_234 = arith.constant 0 : i32
    %dma_wait3A_235 = tpu.memref_slice %arg5[%dma_wait3A_233, %dma_wait3A_234] : memref<2016x64xf32, #tpu.memory_space<hbm>> -> memref<2016x64xf32, #tpu.memory_space<hbm>>
    %dma_wait3A_236 = tpu.memref_slice %arg12[%dma_wait3A_226] : memref<5x!tpu.dma_semaphore, #tpu.memory_space<semaphore_mem>> -> memref<1x!tpu.dma_semaphore, #tpu.memory_space<semaphore_mem>>
    %dma_wait3A_237 = tpu.memref_squeeze %dma_wait3A_236 : memref<1x!tpu.dma_semaphore, #tpu.memory_space<semaphore_mem>> -> memref<!tpu.dma_semaphore, #tpu.memory_space<semaphore_mem>>
    tpu.wait_indirect_dma semaphore(%dma_wait3A_237 : memref<!tpu.dma_semaphore, #tpu.memory_space<semaphore_mem>>) src(%dma_wait3A_235 : memref<2016x64xf32, #tpu.memory_space<hbm>>) dst(%dma_wait3A_230 : memref<128x64xf32, #tpu.memory_space<vmem>>)
    %dma_wait3A_238 = arith.constant 3 : i32
    %dma_wait3A_239 = arith.constant 3 : i32
    %dma_wait3A_240 = arith.constant 0 : i32
    %dma_wait3A_241 = arith.constant 0 : i32
    %dma_wait3A_242 = tpu.memref_slice %arg9[%dma_wait3A_238, %dma_wait3A_240, %dma_wait3A_241] : memref<5x128x64xf32, #tpu.memory_space<vmem>> -> memref<1x128x64xf32, #tpu.memory_space<vmem>>
    %dma_wait3A_243 = tpu.memref_squeeze %dma_wait3A_242 : memref<1x128x64xf32, #tpu.memory_space<vmem>> -> memref<128x64xf32, #tpu.memory_space<vmem>>
    %dma_wait3A_244 = arith.constant 0 : i32
    %dma_wait3A_245 = tpu.memref_slice %arg7[%dma_wait3A_244] : memref<6400xi32, #tpu.memory_space<vmem>> -> memref<128xi32, #tpu.memory_space<vmem>>
    %dma_wait3A_246 = arith.constant 0 : i32
    %dma_wait3A_247 = arith.constant 0 : i32
    %dma_wait3A_248 = tpu.memref_slice %arg4[%dma_wait3A_246, %dma_wait3A_247] : memref<200016x64xf32, #tpu.memory_space<hbm>> -> memref<200016x64xf32, #tpu.memory_space<hbm>>
    %dma_wait3A_249 = tpu.memref_slice %arg11[%dma_wait3A_239] : memref<5x!tpu.dma_semaphore, #tpu.memory_space<semaphore_mem>> -> memref<1x!tpu.dma_semaphore, #tpu.memory_space<semaphore_mem>>
    %dma_wait3A_250 = tpu.memref_squeeze %dma_wait3A_249 : memref<1x!tpu.dma_semaphore, #tpu.memory_space<semaphore_mem>> -> memref<!tpu.dma_semaphore, #tpu.memory_space<semaphore_mem>>
    tpu.wait_indirect_dma semaphore(%dma_wait3A_250 : memref<!tpu.dma_semaphore, #tpu.memory_space<semaphore_mem>>) src(%dma_wait3A_248 : memref<200016x64xf32, #tpu.memory_space<hbm>>) dst(%dma_wait3A_243 : memref<128x64xf32, #tpu.memory_space<vmem>>)
    %dma_wait3A_251 = arith.constant 3 : i32
    %dma_wait3A_252 = arith.constant 3 : i32
    %dma_wait3A_253 = arith.constant 0 : i32
    %dma_wait3A_254 = arith.constant 0 : i32
    %dma_wait3A_255 = tpu.memref_slice %arg10[%dma_wait3A_251, %dma_wait3A_253, %dma_wait3A_254] : memref<5x128x64xf32, #tpu.memory_space<vmem>> -> memref<1x128x64xf32, #tpu.memory_space<vmem>>
    %dma_wait3A_256 = tpu.memref_squeeze %dma_wait3A_255 : memref<1x128x64xf32, #tpu.memory_space<vmem>> -> memref<128x64xf32, #tpu.memory_space<vmem>>
    %dma_wait3A_257 = arith.constant 0 : i32
    %dma_wait3A_258 = tpu.memref_slice %arg8[%dma_wait3A_257] : memref<6400xi32, #tpu.memory_space<vmem>> -> memref<128xi32, #tpu.memory_space<vmem>>
    %dma_wait3A_259 = arith.constant 0 : i32
    %dma_wait3A_260 = arith.constant 0 : i32
    %dma_wait3A_261 = tpu.memref_slice %arg5[%dma_wait3A_259, %dma_wait3A_260] : memref<2016x64xf32, #tpu.memory_space<hbm>> -> memref<2016x64xf32, #tpu.memory_space<hbm>>
    %dma_wait3A_262 = tpu.memref_slice %arg12[%dma_wait3A_252] : memref<5x!tpu.dma_semaphore, #tpu.memory_space<semaphore_mem>> -> memref<1x!tpu.dma_semaphore, #tpu.memory_space<semaphore_mem>>
    %dma_wait3A_263 = tpu.memref_squeeze %dma_wait3A_262 : memref<1x!tpu.dma_semaphore, #tpu.memory_space<semaphore_mem>> -> memref<!tpu.dma_semaphore, #tpu.memory_space<semaphore_mem>>
    tpu.wait_indirect_dma semaphore(%dma_wait3A_263 : memref<!tpu.dma_semaphore, #tpu.memory_space<semaphore_mem>>) src(%dma_wait3A_261 : memref<2016x64xf32, #tpu.memory_space<hbm>>) dst(%dma_wait3A_256 : memref<128x64xf32, #tpu.memory_space<vmem>>)
    %dma_wait3A_264 = arith.constant 4 : i32
    %dma_wait3A_265 = arith.constant 4 : i32
    %dma_wait3A_266 = arith.constant 0 : i32
    %dma_wait3A_267 = arith.constant 0 : i32
    %dma_wait3A_268 = tpu.memref_slice %arg9[%dma_wait3A_264, %dma_wait3A_266, %dma_wait3A_267] : memref<5x128x64xf32, #tpu.memory_space<vmem>> -> memref<1x128x64xf32, #tpu.memory_space<vmem>>
    %dma_wait3A_269 = tpu.memref_squeeze %dma_wait3A_268 : memref<1x128x64xf32, #tpu.memory_space<vmem>> -> memref<128x64xf32, #tpu.memory_space<vmem>>
    %dma_wait3A_270 = arith.constant 0 : i32
    %dma_wait3A_271 = tpu.memref_slice %arg7[%dma_wait3A_270] : memref<6400xi32, #tpu.memory_space<vmem>> -> memref<128xi32, #tpu.memory_space<vmem>>
    %dma_wait3A_272 = arith.constant 0 : i32
    %dma_wait3A_273 = arith.constant 0 : i32
    %dma_wait3A_274 = tpu.memref_slice %arg4[%dma_wait3A_272, %dma_wait3A_273] : memref<200016x64xf32, #tpu.memory_space<hbm>> -> memref<200016x64xf32, #tpu.memory_space<hbm>>
    %dma_wait3A_275 = tpu.memref_slice %arg11[%dma_wait3A_265] : memref<5x!tpu.dma_semaphore, #tpu.memory_space<semaphore_mem>> -> memref<1x!tpu.dma_semaphore, #tpu.memory_space<semaphore_mem>>
    %dma_wait3A_276 = tpu.memref_squeeze %dma_wait3A_275 : memref<1x!tpu.dma_semaphore, #tpu.memory_space<semaphore_mem>> -> memref<!tpu.dma_semaphore, #tpu.memory_space<semaphore_mem>>
    tpu.wait_indirect_dma semaphore(%dma_wait3A_276 : memref<!tpu.dma_semaphore, #tpu.memory_space<semaphore_mem>>) src(%dma_wait3A_274 : memref<200016x64xf32, #tpu.memory_space<hbm>>) dst(%dma_wait3A_269 : memref<128x64xf32, #tpu.memory_space<vmem>>)
    %dma_wait3A_277 = arith.constant 4 : i32
    %dma_wait3A_278 = arith.constant 4 : i32
    %dma_wait3A_279 = arith.constant 0 : i32
    %dma_wait3A_280 = arith.constant 0 : i32
    %dma_wait3A_281 = tpu.memref_slice %arg10[%dma_wait3A_277, %dma_wait3A_279, %dma_wait3A_280] : memref<5x128x64xf32, #tpu.memory_space<vmem>> -> memref<1x128x64xf32, #tpu.memory_space<vmem>>
    %dma_wait3A_282 = tpu.memref_squeeze %dma_wait3A_281 : memref<1x128x64xf32, #tpu.memory_space<vmem>> -> memref<128x64xf32, #tpu.memory_space<vmem>>
    %dma_wait3A_283 = arith.constant 0 : i32
    %dma_wait3A_284 = tpu.memref_slice %arg8[%dma_wait3A_283] : memref<6400xi32, #tpu.memory_space<vmem>> -> memref<128xi32, #tpu.memory_space<vmem>>
    %dma_wait3A_285 = arith.constant 0 : i32
    %dma_wait3A_286 = arith.constant 0 : i32
    %dma_wait3A_287 = tpu.memref_slice %arg5[%dma_wait3A_285, %dma_wait3A_286] : memref<2016x64xf32, #tpu.memory_space<hbm>> -> memref<2016x64xf32, #tpu.memory_space<hbm>>
    %dma_wait3A_288 = tpu.memref_slice %arg12[%dma_wait3A_278] : memref<5x!tpu.dma_semaphore, #tpu.memory_space<semaphore_mem>> -> memref<1x!tpu.dma_semaphore, #tpu.memory_space<semaphore_mem>>
    %dma_wait3A_289 = tpu.memref_squeeze %dma_wait3A_288 : memref<1x!tpu.dma_semaphore, #tpu.memory_space<semaphore_mem>> -> memref<!tpu.dma_semaphore, #tpu.memory_space<semaphore_mem>>
    tpu.wait_indirect_dma semaphore(%dma_wait3A_289 : memref<!tpu.dma_semaphore, #tpu.memory_space<semaphore_mem>>) src(%dma_wait3A_287 : memref<2016x64xf32, #tpu.memory_space<hbm>>) dst(%dma_wait3A_282 : memref<128x64xf32, #tpu.memory_space<vmem>>)
    return
  }
}

module attributes {stable_mosaic.version = 14 : i64} {
  func.func @_tc_mlp_body(%arg0: i32, %arg1: memref<4096x128xf32, #tpu.memory_space<vmem>>, %arg2: memref<128x128xf32, #tpu.memory_space<vmem>>, %arg3: memref<1x128xf32, #tpu.memory_space<vmem>>, %arg4: memref<128x64xf32, #tpu.memory_space<vmem>>, %arg5: memref<1x64xf32, #tpu.memory_space<vmem>>, %arg6: memref<1x64x4096xf32, #tpu.memory_space<vmem>>) attributes {dimension_semantics = [#tpu.dimension_semantics<arbitrary>], iteration_bounds = array<i64: 50>, scalar_prefetch = 0 : i64, scratch_operands = 0 : i64, tpu.core_type = #tpu.core_type<tc>, window_params = [{transform_indices = @transform_0, window_bounds = array<i64: 4096, 128>}, {pipeline_mode = #tpu.pipeline_mode<synchronous>, transform_indices = @transform_1, window_bounds = array<i64: 128, 128>}, {pipeline_mode = #tpu.pipeline_mode<synchronous>, transform_indices = @transform_2, window_bounds = array<i64: 1, 128>}, {pipeline_mode = #tpu.pipeline_mode<synchronous>, transform_indices = @transform_3, window_bounds = array<i64: 128, 64>}, {pipeline_mode = #tpu.pipeline_mode<synchronous>, transform_indices = @transform_4, window_bounds = array<i64: 1, 64>}, {transform_indices = @transform_5, window_bounds = array<i64: 1, 64, 4096>}]} {
    %get3A = arith.constant 0 : index
    %get3A_0 = arith.constant 0 : index
    %get3A_1 = vector.load %arg1[%get3A, %get3A_0] : memref<4096x128xf32, #tpu.memory_space<vmem>>, vector<4096x128xf32>
    %get3A_2 = arith.constant 0 : index
    %get3A_3 = arith.constant 0 : index
    %get3A_4 = vector.load %arg2[%get3A_2, %get3A_3] : memref<128x128xf32, #tpu.memory_space<vmem>>, vector<128x128xf32>
    %dot_general3A = arith.constant dense<0.000000e+00> : vector<4096x128xf32>
    %dot_general3A_5 = tpu.matmul %get3A_1, %get3A_4, %dot_general3A {dimension_numbers = #tpu.dot_dimension_numbers<[1], [0], [0], [1], [0, 0, 1, 1], [], []>, transpose_lhs_hint = false} : vector<4096x128xf32>, vector<128x128xf32>, vector<4096x128xf32> -> vector<4096x128xf32>
    %get3A_6 = arith.constant 0 : index
    %get3A_7 = arith.constant 0 : index
    %get3A_8 = vector.load %arg3[%get3A_6, %get3A_7] : memref<1x128xf32, #tpu.memory_space<vmem>>, vector<1x128xf32>
    %add3A = vector.broadcast %get3A_8 : vector<1x128xf32> to vector<4096x128xf32>
    %add3A_9 = arith.addf %dot_general3A_5, %add3A : vector<4096x128xf32>
    %max3A = arith.constant 0.000000e+00 : f32
    %max3A_10 = vector.broadcast %max3A : f32 to vector<4096x128xf32>
    %max3A_11 = arith.maximumf %add3A_9, %max3A_10 : vector<4096x128xf32>
    %get3A_12 = arith.constant 0 : index
    %get3A_13 = arith.constant 0 : index
    %get3A_14 = vector.load %arg4[%get3A_12, %get3A_13] : memref<128x64xf32, #tpu.memory_space<vmem>>, vector<128x64xf32>
    %dot_general3A_15 = arith.constant dense<0.000000e+00> : vector<4096x64xf32>
    %dot_general3A_16 = tpu.matmul %max3A_11, %get3A_14, %dot_general3A_15 {dimension_numbers = #tpu.dot_dimension_numbers<[1], [0], [0], [1], [0, 0, 1, 1], [], []>, transpose_lhs_hint = false} : vector<4096x128xf32>, vector<128x64xf32>, vector<4096x64xf32> -> vector<4096x64xf32>
    %get3A_17 = arith.constant 0 : index
    %get3A_18 = arith.constant 0 : index
    %get3A_19 = vector.load %arg5[%get3A_17, %get3A_18] : memref<1x64xf32, #tpu.memory_space<vmem>>, vector<1x64xf32>
    %add3A_20 = vector.broadcast %get3A_19 : vector<1x64xf32> to vector<4096x64xf32>
    %add3A_21 = arith.addf %dot_general3A_16, %add3A_20 : vector<4096x64xf32>
    %transpose3A = tpu.transpose %add3A_21, [1, 0] : vector<4096x64xf32> -> vector<64x4096xf32>
    %swap3A = arith.constant 0 : index
    %swap3A_22 = arith.constant 0 : index
    %swap3A_23 = arith.constant 0 : index
    %swap3A_24 = vector.load %arg6[%swap3A, %swap3A_22, %swap3A_23] : memref<1x64x4096xf32, #tpu.memory_space<vmem>>, vector<1x64x4096xf32>
    %swap3A_25 = vector.shape_cast %swap3A_24 : vector<1x64x4096xf32> to vector<64x4096xf32>
    %swap3A_26 = vector.shape_cast %transpose3A : vector<64x4096xf32> to vector<1x64x4096xf32>
    tpu.vector_store %arg6[%swap3A, %swap3A_22, %swap3A_23], %swap3A_26 {strides = array<i32>} : memref<1x64x4096xf32, #tpu.memory_space<vmem>>, vector<1x64x4096xf32>,
    return
  }
  func.func @transform_0(%arg0: i32) -> (i32, i32) {
    %c0_i32 = arith.constant 0 : i32
    %c0_i32_0 = arith.constant 0 : i32
    return %arg0, %c0_i32 : i32, i32
  }
  func.func @transform_1(%arg0: i32) -> (i32, i32) {
    %c0_i32 = arith.constant 0 : i32
    %c0_i32_0 = arith.constant 0 : i32
    %c0_i32_1 = arith.constant 0 : i32
    return %c0_i32, %c0_i32_0 : i32, i32
  }
  func.func @transform_2(%arg0: i32) -> (i32, i32) {
    %c0_i32 = arith.constant 0 : i32
    %c0_i32_0 = arith.constant 0 : i32
    %c0_i32_1 = arith.constant 0 : i32
    return %c0_i32, %c0_i32_0 : i32, i32
  }
  func.func @transform_3(%arg0: i32) -> (i32, i32) {
    %c0_i32 = arith.constant 0 : i32
    %c0_i32_0 = arith.constant 0 : i32
    %c0_i32_1 = arith.constant 0 : i32
    return %c0_i32, %c0_i32_0 : i32, i32
  }
  func.func @transform_4(%arg0: i32) -> (i32, i32) {
    %c0_i32 = arith.constant 0 : i32
    %c0_i32_0 = arith.constant 0 : i32
    %c0_i32_1 = arith.constant 0 : i32
    return %c0_i32, %c0_i32_0 : i32, i32
  }
  func.func @transform_5(%arg0: i32) -> (i32, i32, i32) {
    %c0_i32 = arith.constant 0 : i32
    %c0_i32_0 = arith.constant 0 : i32
    %c0_i32_1 = arith.constant 0 : i32
    return %arg0, %c0_i32, %c0_i32_0 : i32, i32, i32
  }
}

</mosaic_0001>

<sc_bundles>
// kernel: kernel.4.cloned.1.call-start
scs
__scs_entry_jumppad:
0x0: {  	(pc) =	sbr.rel $0x88, $3  }
0x1: {  	(tag) =	ssettag $0x0;
	lr =	simm.s32 $0x1  }
0x2: {  	[smem:$0x3F99] =	sst lr;
	_ =	strace $0xD0000000  }
0x3: {  	_ = 	snop  }
0x4: {  	_ = 	snop  }
0x5: {  	_ = 	snop  }
0x6: {  	_ = 	snop  }
0x7: {  	_ = 	snop  }
__scs_overlays_trampoline_lowered:
0x8: {  	[smem:$0x3FA8] =	sst s0  }
0x9: {  	[smem:$0x3FA9] =	sst s1  }
0xa: {  	[smem:$0x3FAA] =	sst s2  }
0xb: {  	[smem:$0x3FAB] =	sst s3  }
0xc: {  	[smem:$0x3FAC] =	sst s4  }
0xd: {  	[smem:$0x3FAD] =	sst s5  }
0xe: {  	[smem:$0x3FAE] =	sst s6  }
0xf: {  	[smem:$0x3FAF] =	sst s7  }
0x10: {  	[smem:$0x3FB0] =	sst s8  }
0x11: {  	[smem:$0x3FB1] =	sst s9;
	s0 =	simm.s32 @!p0 $0x0  }
0x12: {  	s1 =	sld [smem:$0x3F97];
	s0 =	simm.s32 @p0 $0x1  }
0x13: {  	[smem:$0x3FB2] =	sst s0;
	s0 =	simm.s32 @!p1 $0x0  }
0x14: {  	s2 =	sld [smem:$0x3F96];
	s0 =	simm.s32 @p1 $0x1  }
0x15: {  	[smem:$0x3FB3] =	sst s0;
	s0 =	simm.s32 @!p2 $0x0  }
0x16: {  	s3 =	sld [smem:$0x3FDB];
	s0 =	simm.s32 @p2 $0x1  }
0x17: {  	s4 =	simm.s32 $0x1BF5;
	[smem:$0x3FB5] =	sst s0  }
0x18: {  	s0 =	sld [smem:$0x3F98];
	_ =	swait.ge [sflag:s4], $0x0  }
0x19: {  	s7 =	sld [smem:$0x3F99]  }
0x1a: {  	s8 =	sadd.s32 $0xFFFFE003, lr  }
0x1b: {  	s9 =	sadd.s32 $0xFFFFFEF7, lr;
	s5 =	simm.s32 $0xFFFFFFFF;
	p2 =	slt.u32 s8, $0xFFFFF086  }
0x1c: {  	p1 =	slt.u32 s9, $0xF7A;
	s5 =	simm.s32 @!p2 $0x0  }
0x1d: {  	s5 =	simm.s32 @p1 $0x1;
	p0 =	seq.s32 s7, s2  }
0x1e: {  	s7 =	smul.u32 @!p0 $0xF7A, s2;
	p2 =	seq.s32 @!p0 s5, $0x0  }
0x1f: {  	s9 =	smul.u32 $0xF7A, s1;
	s8 =	simm.s32 @!p0 $0x1BF5;
	p2 =	por !p2, p0  }
0x20: {  	[sflag:s8] =	ssyncset.s32 @!p0 $0xFFFFF086;
	s6 =	sadd.s32 @!p0 s3, s7;
	s7 =	simm.s32 @!p0 $0x108  }
0x21: {  	s3 =	sadd.s32 s3, s9;
	s6 =	sadd.s32 @!p0 $0x88, s6;
	s7 =	simm.s32 @p2 $0x1082  }
0x22: {  	[simem:s7], [sflag:s8] =	dma.local @!p0 [hbm:s6], $0xF7A  }
0x23: {  	s9 =	sor.u32 $0xD0000000, s2;
	s6 =	simm.s32 $0x108;
	_ =	swait.ge @!p0 [sflag:s8], $0x0  }
0x24: {  	s3 =	sadd.s32 $0x88, s3;
	s6 =	simm.s32 @!p1 $0x1082;
	[sflag:s4] =	ssyncset.s32 $0xFFFFF086  }
0x25: {  	[simem:s6], [sflag:s4] =	dma.local [hbm:s3], $0xF7A  }
0x26: {  	[smem:$0x3F99] =	sst s1;
	(tag) =	ssettag s2;
	_ =	strace s9  }
0x27: {  	s1 =	sld [smem:$0x3FA9]  }
0x28: {  	s2 =	sld [smem:$0x3FAA]  }
0x29: {  	s4 =	sld [smem:$0x3FAC]  }
0x2a: {  	p0 =	seq.s32 s5, $0x0;
	s5 =	sld [smem:$0x3FAD]  }
0x2b: {  	s6 =	sld [smem:$0x3FAE]  }
0x2c: {  	s7 =	sld [smem:$0x3FAF]  }
0x2d: {  	s3 =	simm.s32 $0x108;
	s8 =	sld [smem:$0x3FB0]  }
0x2e: {  	s3 =	simm.s32 @!p0 $0x1082;
	s9 =	sld [smem:$0x3FB1]  }
0x2f: {  	lr =	sadd.s32 s0, s3;
	s0 =	sld [smem:$0x3FA8]  }
0x30: {  	s3 =	sld [smem:$0x3FAB]  }
0x31: {  	[smem:$0x3FB4] =	sst s10  }
0x32: {  	s10 =	sld [smem:$0x3FB2];
	_ =	sdelay $0x3  }
0x33: {  	p0 =	seq.s32 s10, $0x1;
	s10 =	sld [smem:$0x3FB4];
	_ =	sdelay $0x3  }
0x34: {  	[smem:$0x3FB4] =	sst s10  }
0x35: {  	s10 =	sld [smem:$0x3FB3];
	_ =	sdelay $0x3  }
0x36: {  	p1 =	seq.s32 s10, $0x1;
	s10 =	sld [smem:$0x3FB4];
	_ =	sdelay $0x3  }
0x37: {  	[smem:$0x3FB4] =	sst s10  }
0x38: {  	s10 =	sld [smem:$0x3FB5]  }
0x39: {  	_ = 	snop;
	(pc) =	sbr.ind lr, $3  }
0x3a: {  	_ = 	snop  }
0x3b: {  	_ = 	snop  }
0x3c: {  	p2 =	seq.s32 s10, $0x1;
	s10 =	sld [smem:$0x3FB4]  }
0x3d: {  	_ =	shalt  }
0x3e: {  	_ =	shalt  }
0x3f: {  	_ =	shalt  }
0x40: {  	_ =	shalt  }
0x41: {  	_ =	shalt  }
0x42: {  	_ =	shalt  }
0x43: {  	_ =	shalt  }
0x44: {  	_ =	shalt  }
0x45: {  	_ =	shalt  }
0x46: {  	_ =	shalt  }
0x47: {  	_ =	shalt  }
0x48: {  	_ =	shalt  }
0x49: {  	_ =	shalt  }
0x4a: {  	_ =	shalt  }
0x4b: {  	_ =	shalt  }
0x4c: {  	_ =	shalt  }
0x4d: {  	_ =	shalt  }
0x4e: {  	_ =	shalt  }
0x4f: {  	_ =	shalt  }
0x50: {  	_ =	shalt  }
0x51: {  	_ =	shalt  }
0x52: {  	_ =	shalt  }
0x53: {  	_ =	shalt  }
0x54: {  	_ =	shalt  }
0x55: {  	_ =	shalt  }
0x56: {  	_ =	shalt  }
0x57: {  	_ =	shalt  }
0x58: {  	_ =	shalt  }
0x59: {  	_ =	shalt  }
0x5a: {  	_ =	shalt  }
0x5b: {  	_ =	shalt  }
0x5c: {  	_ =	shalt  }
0x5d: {  	_ =	shalt  }
0x5e: {  	_ =	shalt  }
0x5f: {  	_ =	shalt  }
0x60: {  	_ =	shalt  }
0x61: {  	_ =	shalt  }
0x62: {  	_ =	shalt  }
0x63: {  	_ =	shalt  }
0x64: {  	_ =	shalt  }
0x65: {  	_ =	shalt  }
0x66: {  	_ =	shalt  }
0x67: {  	_ =	shalt  }
0x68: {  	_ =	shalt  }
0x69: {  	_ =	shalt  }
0x6a: {  	_ =	shalt  }
0x6b: {  	_ =	shalt  }
0x6c: {  	_ =	shalt  }
0x6d: {  	_ =	shalt  }
0x6e: {  	_ =	shalt  }
0x6f: {  	_ =	shalt  }
0x70: {  	_ =	shalt  }
0x71: {  	_ =	shalt  }
0x72: {  	_ =	shalt  }
0x73: {  	_ =	shalt  }
0x74: {  	_ =	shalt  }
0x75: {  	_ =	shalt  }
0x76: {  	_ =	shalt  }
0x77: {  	_ =	shalt  }
0x78: {  	_ =	shalt  }
0x79: {  	_ =	shalt  }
0x7a: {  	_ =	shalt  }
0x7b: {  	_ =	shalt  }
0x7c: {  	_ =	shalt  }
0x7d: {  	_ =	shalt  }
0x7e: {  	_ =	shalt  }
0x7f: {  	_ =	shalt  }
0x80: {  	_ =	shalt  }
0x81: {  	_ =	shalt  }
0x82: {  	_ =	shalt  }
0x83: {  	_ =	shalt  }
0x84: {  	_ =	shalt  }
0x85: {  	_ =	shalt  }
0x86: {  	_ =	shalt  }
0x87: {  	_ =	shalt  }
.Lfunc_end0:
.L_simem_size_0:
called_computation_lowered:
.L_overlay_start_0:
0x88: {  	s2 =	sld [smem:$0x3FD9]  }
0x89: {  	s3 =	sld [smem:$0x3FFE];
	_ =	sdelay $0x1  }
0x8a: {  	s1 =	srdreg.scid  }
0x8b: {  	s0 =	sand.u32 $0x1, s1  }
0x8c: {  	s14 =	sshll.u32 s0, $0xA;
	s2 =	sadd.s32 s3, s2  }
0x8d: {  	s2 =	sadd.s32 s2, s14  }
0x8e: {  	[smem:$0x3FC0] =	sst s2  }
0x8f: {  	_ = 	snop  }
0x90: {  	s2 =	sld [smem:$0x3FD0];
	_ =	sdelay $0x2  }
0x91: {  	s15 =	simm.s32 $0xA;
	s4 =	simm.s32 $0x10  }
0x92: {  	[smem:s4], [sflag:s15] =	dma.local [hbm:s2], $0x1  }
0x93: {  	_ =	swait.eq [sflag:s15], $0x1  }
0x94: {  	[sflag:s15] =	ssyncset.done $0x0  }
0x95: {  	[sflag:s15] =	ssyncadd.s32 $0xFFFFFFFF  }
0x96: {  	s16 =	sld [smem:$0x10];
	(tm) =	ssettm $0x1  }
0x97: {  	s17 =	sld [smem:$0x3FFB];
	_ =	sdelay $0x3  }
0x98: {  	_ =	strace s17  }
0x99: {  	s3 =	sld [smem:$0x3FFC];
	_ =	sdelay $0x3  }
0x9a: {  	_ =	strace s3  }
0x9b: {  	s3 =	sld [smem:$0x3FFD];
	_ =	sdelay $0x3  }
0x9c: {  	_ =	strace s3  }
0x9d: {  	_ =	strace $0x8FFFFFFF  }
0x9e: {  	s18 =	sld [smem:$0x3FDB];
	_ =	sdelay $0x1  }
0x9f: {  	s19 =	simm.s32 $_scs_section_size  }
0xa0: {  	s5 =	simm.s32 $_size__tile_overlayer_lowered;
	s6 =	simm.s32 $_tile_overlayer_lowered  }
0xa1: {  	s22 =	simm.s32 $0x1BFF;
	s21 =	sshll.u32 s6, $0x1;
	s3 =	sadd.s32 s19, s18  }
0xa2: {  	s7 =	simm.s32 $0x0;
	s20 =	sshll.u32 s5, $0x1;
	s5 =	sadd.s32 s21, s3  }
0xa3: {  	[timem:s7], [sflag:s22] =	dma.local [hbm:s5], s20  }
0xa4: {  	_ =	swait.ge [sflag:s22], s20  }
0xa5: {  	s4 =	ssub.s32 $0x0, s20;
	[sflag:s22] =	ssyncset.done $0x0  }
0xa6: {  	[sflag:s22] =	ssyncadd.s32 s4;
	_ =	sdelay $0x1  }
0xa7: {  	s23 =	simm.s32 $0x1B8B  }
0xa8: {  	_ =	swait.ge [sflag:s23], $0x1  }
0xa9: {  	[sflag:s23] =	ssyncset.done $0x0  }
0xaa: {  	s25 =	simm.s32 $0x1B8E;
	s24 =	sld [smem:$0x3FFE];
	[sflag:s23] =	ssyncadd.s32 $0xFFFFFFFF  }
0xab: {  	s26 =	simm.s32 $execute0_lowered;
	[smem:$0x3FD2] =	sst s25  }
0xac: {  	s5 =	sshll.u32 s26, $0x1;
	_ =	strace $0x80000046;
	[dreg:$0x1] =	wrdreg $0xFFFFFFFF  }
0xad: {  	s28 =	simm.s32 $_size_execute0_lowered;
	s3 =	sadd.s32 s3, s5;
	[dreg:$0x0] =	wrdreg $0x0  }
0xae: {  	s5 =	sshll.u32 s28, $0x1;
	[dreg:$0x2] =	wrdreg s3  }
0xaf: {  	[dreg:$0x3] =	wrdreg s5  }
0xb0: {  	[dreg:$0x4] =	wrdreg $0xC0  }
0xb1: {  	_ =	task [dreg:s7], $0x5FFFF  }
0xb2: {  	[dreg:$0x1] =	wrdreg $0xFFFFFFFF  }
0xb3: {  	[dreg:$0x0] =	wrdreg $0x60  }
0xb4: {  	[dreg:$0x2] =	wrdreg s24  }
0xb5: {  	[dreg:$0x3] =	wrdreg s16  }
0xb6: {  	[dreg:$0x4] =	wrdreg $0x9  }
0xb7: {  	_ =	task.clear_ibuf [dreg:s7], $0x5FFFF;
	_ =	strace $0x90000046  }
0xb8: {  	s29 =	simm.s32 $0x9;
	_ =	strace $0x80000048  }
0xb9: {  	_ =	swait.ge [sflag:s29], $0x1  }
0xba: {  	[sflag:s29] =	ssyncadd.s32 $0xFFFFFFFF  }
0xbb: {  	_ =	strace $0x90000048  }
0xbc: {  	_ =	sfence  }
0xbd: {  	s30 =	sld [smem:$0x0];
	_ =	sdelay $0x2  }
0xbe: {  	s31 =	sshll.u32 s1, $0xD;
	s1 =	sshrl.u32 s1, $0x2  }
0xbf: {  	s3 =	sand.u32 $0x4000, s31;
	s1 =	sadd.s32 s1, s30  }
0xc0: {  	s0 =	sor.u32 s3, s0;
	s1 =	sshll.u32 s1, $0x11  }
0xc1: {  	s0 =	sor.u32 s1, s0  }
0xc2: {  	s0 =	sadd.s32 $0x8F2B, s0  }
0xc3: {  	[sflag:s0] =	ssyncadd.remote.s32 $0x1  }
0xc4: {  	_ =	sfence.sel $0xFFFF  }
0xc5: {  	[dreg:$0x0] =	wrdreg $0xFFFFFFFF;
	(pc) =	sbr.abs _section_cstart, $3  }
0xc6: {  	[dreg:$0x1] =	wrdreg $0xFFFFFFFF  }
0xc7: {  	_ =	task.clear_ibuf [dreg:s7], $0x2FFFF;
	_ =	strace $0x9FFFFFFF  }
0xc8: {  	(tm) =	ssettm $0x7FFFFFFF  }
0xc9: {  	_ =	shalt  }
tec
execute0_lowered:
.L_overlay_start_1:
0x0: {  	(tag) =	ssettag $0x1  }
0x1: {  	s0 =	srdreg.scid;
	s1 =	rddreg [dreg:$0x0]  }
0x2: {  	s5 =	stileid.u32;
	s2 =	rddreg [dreg:$0x1];
	s22 =	simm.s32 $0x0  }
0x3: {  	s8 =	simm.s32 $0xB;
	s10 =	simm.s32 $0x80;
	s11 =	simm.s32 $0x3200  }
0x4: {  	s12 =	simm.s32 $0xD200;
	s13 =	simm.s32 $0x5200;
	s15 =	simm.s32 $0xF200  }
0x5: {  	s17 =	simm.s32 $0x7200;
	s19 =	simm.s32 $0x11200;
	s21 =	simm.s32 $0x9200  }
0x6: {  	s28 =	simm.s32 $0x15200;
	s29 =	simm.s32 $0x1;
	s30 =	simm.s32 $0x6  }
0x7: {  	s31 =	simm.s32 $0x40;
	s0 =	sand.u32 $0x1, s0;
	s3 =	sshll.u32 s5, $0x1  }
0x8: {  	s14 =	simm.s32 $0x3;
	s16 =	simm.s32 $0x8;
	s4 =	sor.u32 s0, s3  }
0x9: {  	s18 =	simm.s32 $0x4;
	s20 =	simm.s32 $0x9;
	s4 =	smul.u32 $0x1900, s4  }
0xa: {  	[smem:$0x7FF] =	sst s22;
	s5 =	smul.u32 $0x32000, s5;
	s22 =	simm.s32 $0x5  }
0xb: {  	_ =	strace $0x80000047;
	s7 =	ssub.s32 $0x2, s0;
	s4 =	sshrl.u32 s4, $0x3  }
0xc: {  	s0 =	smul.u32 $0x19000, s0;
	s23 =	sshrl.u32 s7, $0x1;
	s6 =	sadd.s32 s4, s1  }
0xd: {  	s4 =	sadd.s32 $0xDA00, s1;
	s1 =	sadd.s32 s5, s1;
	s24 =	sadd.s32 $0x7600, s6  }
0xe: {  	s5 =	ssub.s32 s7, s23;
	s25 =	sadd.s32 $0x1200, s6;
	[dreg:$0x4] =	wrdreg s24  }
0xf: {  	s23 =	simm.s32 $0x13200;
	s26 =	smax.u32 s5, $0x1;
	[dreg:$0x5] =	wrdreg s25  }
0x10: {  	s0 =	sadd.s32 s0, s1;
	s1 =	simm.s32 $0x2;
	[dreg:$0x6] =	wrdreg s26  }
0x11: {  	s0 =	sadd.s32 $0x194600, s0;
	s25 =	simm.s32 $0xB200;
	s24 =	simm.s32 $0xA  }
0x12: {  	s26 =	simm.s32 $0x0;
	[dreg:$0x3] =	wrdreg s0;
	s0 =	simm.s32 $0x7  }
.LBB2_1:
0x13: {  	s3 =	simm.s32 $0x0;
	s5 =	rddreg [dreg:$0x4]  }
0x14: {  	[tilespmem:s3], [sflag:$0xB] =	stream.linear.gather [hbm4b:s5+s3], $0x1900, $0x38;
	[tilespmem:$0x17200] =	vst v63  }
0x15: {  	_ =	swait.ge [sflag:s8], $0x1900  }
0x16: {  	[sflag:s8] =	ssyncset.done $0x0  }
0x17: {  	s6 =	simm.s32 $0x1900;
	s9 =	rddreg [dreg:$0x5];
	[sflag:s8] =	ssyncadd.s32 $0xFFFFE700  }
0x18: {  	[tilespmem:s6], [sflag:$0xB] =	stream.linear.gather [hbm4b:s9+s3], $0x1900, $0x38;
	[tilespmem:$0x17200] =	vst v63  }
0x19: {  	_ =	swait.ge [sflag:s8], $0x1900  }
0x1a: {  	[sflag:s8] =	ssyncset.done $0x0  }
0x1b: {  	[sflag:s8] =	ssyncadd.s32 $0xFFFFE700  }
0x1c: {  	[tilespmem:s11], [sflag:$0x1] =	stream.indirect.gather [hbm4b:s4+s10], $0x40, s3, s10, $0xb8;
	[tilespmem:$0x17200] =	vst v63  }
0x1d: {  	_ = 	snop  }
0x1e: {  	[tilespmem:s12], [sflag:$0x6] =	stream.indirect.gather [hbm4b:s2+s10], $0x40, s6, s10, $0xb8;
	[tilespmem:$0x17200] =	vst v63  }
0x1f: {  	_ = 	snop  }
0x20: {  	[tilespmem:s13], [sflag:$0x2] =	stream.indirect.gather [hbm4b:s4+s10], $0x40, s10, s10, $0xb8;
	[tilespmem:$0x17200] =	vst v63  }
0x21: {  	s6 =	simm.s32 $0x1980  }
0x22: {  	[tilespmem:s15], [sflag:$0x7] =	stream.indirect.gather [hbm4b:s2+s10], $0x40, s6, s10, $0xb8;
	[tilespmem:$0x17200] =	vst v63  }
0x23: {  	s7 =	simm.s32 $0x100  }
0x24: {  	[tilespmem:s17], [sflag:$0x3] =	stream.indirect.gather [hbm4b:s4+s10], $0x40, s7, s10, $0xb8;
	[tilespmem:$0x17200] =	vst v63  }
0x25: {  	s9 =	simm.s32 $0x1A00  }
0x26: {  	[tilespmem:s19], [sflag:$0x8] =	stream.indirect.gather [hbm4b:s2+s10], $0x40, s9, s10, $0xb8;
	[tilespmem:$0x17200] =	vst v63  }
0x27: {  	s6 =	simm.s32 $0x180  }
0x28: {  	[tilespmem:s21], [sflag:$0x4] =	stream.indirect.gather [hbm4b:s4+s10], $0x40, s6, s10, $0xb8;
	[tilespmem:$0x17200] =	vst v63  }
0x29: {  	s7 =	simm.s32 $0x1A80  }
0x2a: {  	[tilespmem:s23], [sflag:$0x9] =	stream.indirect.gather [hbm4b:s2+s10], $0x40, s7, s10, $0xb8;
	[tilespmem:$0x17200] =	vst v63  }
0x2b: {  	s9 =	simm.s32 $0x200  }
0x2c: {  	[tilespmem:s25], [sflag:$0x5] =	stream.indirect.gather [hbm4b:s4+s10], $0x40, s9, s10, $0xb8;
	[tilespmem:$0x17200] =	vst v63  }
0x2d: {  	s6 =	simm.s32 $0x1B00  }
0x2e: {  	[tilespmem:s28], [sflag:$0xA] =	stream.indirect.gather [hbm4b:s2+s10], $0x40, s6, s10, $0xb8;
	[tilespmem:$0x17200] =	vst v63  }
0x2f: {  	_ =	swait.ge [sflag:s29], $0x2000  }
0x30: {  	[sflag:s29] =	ssyncset.done $0x0  }
0x31: {  	[sflag:s29] =	ssyncadd.s32 $0xFFFFE000  }
0x32: {  	_ =	swait.ge [sflag:s30], $0x2000  }
0x33: {  	s7 =	rddreg [dreg:$0x3];
	[sflag:s30] =	ssyncset.done $0x0  }
0x34: {  	[sflag:s30] =	ssyncadd.s32 $0xFFFFE000;
	s5 =	sadd.s32 $0x0, s7  }
0x35: {  	[hbm4b:s5+s31] =	stream.strided.scatter [tilespmem:s11], [sflag:$0xB], $0x2000, s10, s31, $0x38;
	[tilespmem:$0x17200] =	vst v63  }
0x36: {  	_ =	swait.ge [sflag:s8], $0x2000  }
0x37: {  	[sflag:s8] =	ssyncset.done $0x0  }
0x38: {  	s9 =	sadd.s32 $0x8, s5;
	[sflag:s8] =	ssyncadd.s32 $0xFFFFE000  }
0x39: {  	[hbm4b:s9+s31] =	stream.strided.scatter [tilespmem:s12], [sflag:$0xB], $0x2000, s10, s31, $0x38;
	[tilespmem:$0x17200] =	vst v63  }
0x3a: {  	s7 =	smin.u32 s3, $0x2C;
	_ =	swait.ge [sflag:s8], $0x2000  }
0x3b: {  	s6 =	sshll.u32 s7, $0x7;
	[sflag:s8] =	ssyncset.done $0x0  }
0x3c: {  	s9 =	sadd.s32 $0x280, s6;
	[sflag:s8] =	ssyncadd.s32 $0xFFFFE000  }
0x3d: {  	[tilespmem:s11], [sflag:$0x1] =	stream.indirect.gather [hbm4b:s4+s10], $0x40, s9, s10, $0xb8;
	[tilespmem:$0x17200] =	vst v63  }
0x3e: {  	s6 =	sadd.s32 $0x1B80, s6  }
0x3f: {  	[tilespmem:s12], [sflag:$0x6] =	stream.indirect.gather [hbm4b:s2+s10], $0x40, s6, s10, $0xb8;
	[tilespmem:$0x17200] =	vst v63  }
0x40: {  	_ =	swait.ge [sflag:s1], $0x2000  }
0x41: {  	[sflag:s1] =	ssyncset.done $0x0  }
0x42: {  	[sflag:s1] =	ssyncadd.s32 $0xFFFFE000  }
0x43: {  	_ =	swait.ge [sflag:s0], $0x2000  }
0x44: {  	[sflag:s0] =	ssyncset.done $0x0  }
0x45: {  	s9 =	sadd.s32 $0x800, s5;
	[sflag:s0] =	ssyncadd.s32 $0xFFFFE000  }
0x46: {  	[hbm4b:s9+s31] =	stream.strided.scatter [tilespmem:s13], [sflag:$0xB], $0x2000, s10, s31, $0x38;
	[tilespmem:$0x17200] =	vst v63  }
0x47: {  	_ =	swait.ge [sflag:s8], $0x2000  }
0x48: {  	[sflag:s8] =	ssyncset.done $0x0  }
0x49: {  	s7 =	sadd.s32 $0x808, s5;
	[sflag:s8] =	ssyncadd.s32 $0xFFFFE000  }
0x4a: {  	[hbm4b:s7+s31] =	stream.strided.scatter [tilespmem:s15], [sflag:$0xB], $0x2000, s10, s31, $0x38;
	[tilespmem:$0x17200] =	vst v63  }
0x4b: {  	s9 =	smin.u32 s3, $0x2B;
	_ =	swait.ge [sflag:s8], $0x2000  }
0x4c: {  	s6 =	sshll.u32 s9, $0x7;
	[sflag:s8] =	ssyncset.done $0x0  }
0x4d: {  	s7 =	sadd.s32 $0x300, s6;
	[sflag:s8] =	ssyncadd.s32 $0xFFFFE000  }
0x4e: {  	[tilespmem:s13], [sflag:$0x2] =	stream.indirect.gather [hbm4b:s4+s10], $0x40, s7, s10, $0xb8;
	[tilespmem:$0x17200] =	vst v63  }
0x4f: {  	s6 =	sadd.s32 $0x1C00, s6  }
0x50: {  	[tilespmem:s15], [sflag:$0x7] =	stream.indirect.gather [hbm4b:s2+s10], $0x40, s6, s10, $0xb8;
	[tilespmem:$0x17200] =	vst v63  }
0x51: {  	_ =	swait.ge [sflag:s14], $0x2000  }
0x52: {  	[sflag:s14] =	ssyncset.done $0x0  }
0x53: {  	[sflag:s14] =	ssyncadd.s32 $0xFFFFE000  }
0x54: {  	_ =	swait.ge [sflag:s16], $0x2000  }
0x55: {  	[sflag:s16] =	ssyncset.done $0x0  }
0x56: {  	s9 =	sadd.s32 $0x1000, s5;
	[sflag:s16] =	ssyncadd.s32 $0xFFFFE000  }
0x57: {  	[hbm4b:s9+s31] =	stream.strided.scatter [tilespmem:s17], [sflag:$0xB], $0x2000, s10, s31, $0x38;
	[tilespmem:$0x17200] =	vst v63  }
0x58: {  	_ =	swait.ge [sflag:s8], $0x2000  }
0x59: {  	[sflag:s8] =	ssyncset.done $0x0  }
0x5a: {  	s7 =	sadd.s32 $0x1008, s5;
	[sflag:s8] =	ssyncadd.s32 $0xFFFFE000  }
0x5b: {  	[hbm4b:s7+s31] =	stream.strided.scatter [tilespmem:s19], [sflag:$0xB], $0x2000, s10, s31, $0x38;
	[tilespmem:$0x17200] =	vst v63  }
0x5c: {  	s9 =	smin.u32 s3, $0x2A;
	_ =	swait.ge [sflag:s8], $0x2000  }
0x5d: {  	s6 =	sshll.u32 s9, $0x7;
	[sflag:s8] =	ssyncset.done $0x0  }
0x5e: {  	s7 =	sadd.s32 $0x380, s6;
	[sflag:s8] =	ssyncadd.s32 $0xFFFFE000  }
0x5f: {  	[tilespmem:s17], [sflag:$0x3] =	stream.indirect.gather [hbm4b:s4+s10], $0x40, s7, s10, $0xb8;
	[tilespmem:$0x17200] =	vst v63  }
0x60: {  	s6 =	sadd.s32 $0x1C80, s6  }
0x61: {  	[tilespmem:s19], [sflag:$0x8] =	stream.indirect.gather [hbm4b:s2+s10], $0x40, s6, s10, $0xb8;
	[tilespmem:$0x17200] =	vst v63  }
0x62: {  	_ =	swait.ge [sflag:s18], $0x2000  }
0x63: {  	[sflag:s18] =	ssyncset.done $0x0  }
0x64: {  	[sflag:s18] =	ssyncadd.s32 $0xFFFFE000  }
0x65: {  	_ =	swait.ge [sflag:s20], $0x2000  }
0x66: {  	[sflag:s20] =	ssyncset.done $0x0  }
0x67: {  	s9 =	sadd.s32 $0x1800, s5;
	[sflag:s20] =	ssyncadd.s32 $0xFFFFE000  }
0x68: {  	[hbm4b:s9+s31] =	stream.strided.scatter [tilespmem:s21], [sflag:$0xB], $0x2000, s10, s31, $0x38;
	[tilespmem:$0x17200] =	vst v63  }
0x69: {  	_ =	swait.ge [sflag:s8], $0x2000  }
0x6a: {  	[sflag:s8] =	ssyncset.done $0x0  }
0x6b: {  	s7 =	sadd.s32 $0x1808, s5;
	[sflag:s8] =	ssyncadd.s32 $0xFFFFE000  }
0x6c: {  	[hbm4b:s7+s31] =	stream.strided.scatter [tilespmem:s23], [sflag:$0xB], $0x2000, s10, s31, $0x38;
	[tilespmem:$0x17200] =	vst v63  }
0x6d: {  	s9 =	smin.u32 s3, $0x29;
	_ =	swait.ge [sflag:s8], $0x2000  }
0x6e: {  	s6 =	sshll.u32 s9, $0x7;
	[sflag:s8] =	ssyncset.done $0x0  }
0x6f: {  	s7 =	sadd.s32 $0x400, s6;
	[sflag:s8] =	ssyncadd.s32 $0xFFFFE000  }
0x70: {  	[tilespmem:s21], [sflag:$0x4] =	stream.indirect.gather [hbm4b:s4+s10], $0x40, s7, s10, $0xb8;
	[tilespmem:$0x17200] =	vst v63  }
0x71: {  	s6 =	sadd.s32 $0x1D00, s6  }
0x72: {  	[tilespmem:s23], [sflag:$0x9] =	stream.indirect.gather [hbm4b:s2+s10], $0x40, s6, s10, $0xb8;
	[tilespmem:$0x17200] =	vst v63  }
0x73: {  	_ =	swait.ge [sflag:s22], $0x2000  }
0x74: {  	[sflag:s22] =	ssyncset.done $0x0  }
0x75: {  	[sflag:s22] =	ssyncadd.s32 $0xFFFFE000  }
0x76: {  	_ =	swait.ge [sflag:s24], $0x2000  }
0x77: {  	[sflag:s24] =	ssyncset.done $0x0  }
0x78: {  	s9 =	sadd.s32 $0x2000, s5;
	[sflag:s24] =	ssyncadd.s32 $0xFFFFE000  }
0x79: {  	[hbm4b:s9+s31] =	stream.strided.scatter [tilespmem:s25], [sflag:$0xB], $0x2000, s10, s31, $0x38;
	[tilespmem:$0x17200] =	vst v63  }
0x7a: {  	_ =	swait.ge [sflag:s8], $0x2000  }
0x7b: {  	[sflag:s8] =	ssyncset.done $0x0  }
0x7c: {  	s5 =	sadd.s32 $0x2008, s5;
	[sflag:s8] =	ssyncadd.s32 $0xFFFFE000  }
0x7d: {  	[hbm4b:s5+s31] =	stream.strided.scatter [tilespmem:s28], [sflag:$0xB], $0x2000, s10, s31, $0x38;
	[tilespmem:$0x17200] =	vst v63  }
0x7e: {  	s7 =	smin.u32 s3, $0x28;
	_ =	swait.ge [sflag:s8], $0x2000  }
0x7f: {  	s9 =	sshll.u32 s7, $0x7;
	[sflag:s8] =	ssyncset.done $0x0  }
0x80: {  	s5 =	sadd.s32 $0x480, s9;
	[sflag:s8] =	ssyncadd.s32 $0xFFFFE000  }
0x81: {  	[tilespmem:s25], [sflag:$0x5] =	stream.indirect.gather [hbm4b:s4+s10], $0x40, s5, s10, $0xb8;
	[tilespmem:$0x17200] =	vst v63  }
0x82: {  	s6 =	sadd.s32 $0x1D80, s9;
	s9 =	simm.s32 $0x5;
	s5 =	simm.s32 $0x2800  }
.LBB2_2:
0x83: {  	[tilespmem:s28], [sflag:$0xA] =	stream.indirect.gather [hbm4b:s2+s10], $0x40, s6, s10, $0xb8;
	[tilespmem:$0x17200] =	vst v63  }
0x84: {  	_ =	swait.ge [sflag:s29], $0x2000  }
0x85: {  	[sflag:s29] =	ssyncset.done $0x0  }
0x86: {  	[sflag:s29] =	ssyncadd.s32 $0xFFFFE000  }
0x87: {  	_ =	swait.ge [sflag:s30], $0x2000  }
0x88: {  	s3 =	smov.u32 s5;
	s7 =	rddreg [dreg:$0x3];
	[sflag:s30] =	ssyncset.done $0x0  }
0x89: {  	[sflag:s30] =	ssyncadd.s32 $0xFFFFE000;
	s6 =	sadd.s32 s3, s7  }
0x8a: {  	[hbm4b:s6+s31] =	stream.strided.scatter [tilespmem:s11], [sflag:$0xB], $0x2000, s10, s31, $0x38;
	[tilespmem:$0x17200] =	vst v63  }
0x8b: {  	_ =	swait.ge [sflag:s8], $0x2000  }
0x8c: {  	[sflag:s8] =	ssyncset.done $0x0  }
0x8d: {  	s7 =	sadd.s32 $0x8, s6;
	[sflag:s8] =	ssyncadd.s32 $0xFFFFE000  }
0x8e: {  	[hbm4b:s7+s31] =	stream.strided.scatter [tilespmem:s12], [sflag:$0xB], $0x2000, s10, s31, $0x38;
	[tilespmem:$0x17200] =	vst v63  }
0x8f: {  	s3 =	smin.u32 s9, $0x2C;
	_ =	swait.ge [sflag:s8], $0x2000  }
0x90: {  	s7 =	sshll.u32 s3, $0x7;
	[sflag:s8] =	ssyncset.done $0x0  }
0x91: {  	s3 =	sadd.s32 $0x280, s7;
	[sflag:s8] =	ssyncadd.s32 $0xFFFFE000  }
0x92: {  	[tilespmem:s11], [sflag:$0x1] =	stream.indirect.gather [hbm4b:s4+s10], $0x40, s3, s10, $0xb8;
	[tilespmem:$0x17200] =	vst v63  }
0x93: {  	s7 =	sadd.s32 $0x1B80, s7  }
0x94: {  	[tilespmem:s12], [sflag:$0x6] =	stream.indirect.gather [hbm4b:s2+s10], $0x40, s7, s10, $0xb8;
	[tilespmem:$0x17200] =	vst v63  }
0x95: {  	_ =	swait.ge [sflag:s1], $0x2000  }
0x96: {  	[sflag:s1] =	ssyncset.done $0x0  }
0x97: {  	[sflag:s1] =	ssyncadd.s32 $0xFFFFE000  }
0x98: {  	_ =	swait.ge [sflag:s0], $0x2000  }
0x99: {  	[sflag:s0] =	ssyncset.done $0x0  }
0x9a: {  	s7 =	sadd.s32 $0x800, s6;
	[sflag:s0] =	ssyncadd.s32 $0xFFFFE000  }
0x9b: {  	[hbm4b:s7+s31] =	stream.strided.scatter [tilespmem:s13], [sflag:$0xB], $0x2000, s10, s31, $0x38;
	[tilespmem:$0x17200] =	vst v63  }
0x9c: {  	_ =	swait.ge [sflag:s8], $0x2000  }
0x9d: {  	[sflag:s8] =	ssyncset.done $0x0  }
0x9e: {  	s7 =	sadd.s32 $0x808, s6;
	[sflag:s8] =	ssyncadd.s32 $0xFFFFE000  }
0x9f: {  	[hbm4b:s7+s31] =	stream.strided.scatter [tilespmem:s15], [sflag:$0xB], $0x2000, s10, s31, $0x38;
	[tilespmem:$0x17200] =	vst v63  }
0xa0: {  	s7 =	smin.u32 s9, $0x2B;
	_ =	swait.ge [sflag:s8], $0x2000  }
0xa1: {  	s3 =	sshll.u32 s7, $0x7;
	[sflag:s8] =	ssyncset.done $0x0  }
0xa2: {  	s7 =	sadd.s32 $0x300, s3;
	[sflag:s8] =	ssyncadd.s32 $0xFFFFE000  }
0xa3: {  	[tilespmem:s13], [sflag:$0x2] =	stream.indirect.gather [hbm4b:s4+s10], $0x40, s7, s10, $0xb8;
	[tilespmem:$0x17200] =	vst v63  }
0xa4: {  	s3 =	sadd.s32 $0x1C00, s3  }
0xa5: {  	[tilespmem:s15], [sflag:$0x7] =	stream.indirect.gather [hbm4b:s2+s10], $0x40, s3, s10, $0xb8;
	[tilespmem:$0x17200] =	vst v63  }
0xa6: {  	_ =	swait.ge [sflag:s14], $0x2000  }
0xa7: {  	[sflag:s14] =	ssyncset.done $0x0  }
0xa8: {  	[sflag:s14] =	ssyncadd.s32 $0xFFFFE000  }
0xa9: {  	_ =	swait.ge [sflag:s16], $0x2000  }
0xaa: {  	[sflag:s16] =	ssyncset.done $0x0  }
0xab: {  	s7 =	sadd.s32 $0x1000, s6;
	[sflag:s16] =	ssyncadd.s32 $0xFFFFE000  }
0xac: {  	[hbm4b:s7+s31] =	stream.strided.scatter [tilespmem:s17], [sflag:$0xB], $0x2000, s10, s31, $0x38;
	[tilespmem:$0x17200] =	vst v63  }
0xad: {  	_ =	swait.ge [sflag:s8], $0x2000  }
0xae: {  	[sflag:s8] =	ssyncset.done $0x0  }
0xaf: {  	s7 =	sadd.s32 $0x1008, s6;
	[sflag:s8] =	ssyncadd.s32 $0xFFFFE000  }
0xb0: {  	[hbm4b:s7+s31] =	stream.strided.scatter [tilespmem:s19], [sflag:$0xB], $0x2000, s10, s31, $0x38;
	[tilespmem:$0x17200] =	vst v63  }
0xb1: {  	s7 =	smin.u32 s9, $0x2A;
	_ =	swait.ge [sflag:s8], $0x2000  }
0xb2: {  	s3 =	sshll.u32 s7, $0x7;
	[sflag:s8] =	ssyncset.done $0x0  }
0xb3: {  	s7 =	sadd.s32 $0x380, s3;
	[sflag:s8] =	ssyncadd.s32 $0xFFFFE000  }
0xb4: {  	[tilespmem:s17], [sflag:$0x3] =	stream.indirect.gather [hbm4b:s4+s10], $0x40, s7, s10, $0xb8;
	[tilespmem:$0x17200] =	vst v63  }
0xb5: {  	s3 =	sadd.s32 $0x1C80, s3  }
0xb6: {  	[tilespmem:s19], [sflag:$0x8] =	stream.indirect.gather [hbm4b:s2+s10], $0x40, s3, s10, $0xb8;
	[tilespmem:$0x17200] =	vst v63  }
0xb7: {  	_ =	swait.ge [sflag:s18], $0x2000  }
0xb8: {  	[sflag:s18] =	ssyncset.done $0x0  }
0xb9: {  	[sflag:s18] =	ssyncadd.s32 $0xFFFFE000  }
0xba: {  	_ =	swait.ge [sflag:s20], $0x2000  }
0xbb: {  	[sflag:s20] =	ssyncset.done $0x0  }
0xbc: {  	s7 =	sadd.s32 $0x1800, s6;
	[sflag:s20] =	ssyncadd.s32 $0xFFFFE000  }
0xbd: {  	[hbm4b:s7+s31] =	stream.strided.scatter [tilespmem:s21], [sflag:$0xB], $0x2000, s10, s31, $0x38;
	[tilespmem:$0x17200] =	vst v63  }
0xbe: {  	_ =	swait.ge [sflag:s8], $0x2000  }
0xbf: {  	[sflag:s8] =	ssyncset.done $0x0  }
0xc0: {  	s7 =	sadd.s32 $0x1808, s6;
	[sflag:s8] =	ssyncadd.s32 $0xFFFFE000  }
0xc1: {  	[hbm4b:s7+s31] =	stream.strided.scatter [tilespmem:s23], [sflag:$0xB], $0x2000, s10, s31, $0x38;
	[tilespmem:$0x17200] =	vst v63  }
0xc2: {  	s7 =	smin.u32 s9, $0x29;
	_ =	swait.ge [sflag:s8], $0x2000  }
0xc3: {  	s3 =	sshll.u32 s7, $0x7;
	[sflag:s8] =	ssyncset.done $0x0  }
0xc4: {  	s7 =	sadd.s32 $0x400, s3;
	[sflag:s8] =	ssyncadd.s32 $0xFFFFE000  }
0xc5: {  	[tilespmem:s21], [sflag:$0x4] =	stream.indirect.gather [hbm4b:s4+s10], $0x40, s7, s10, $0xb8;
	[tilespmem:$0x17200] =	vst v63  }
0xc6: {  	s3 =	sadd.s32 $0x1D00, s3  }
0xc7: {  	[tilespmem:s23], [sflag:$0x9] =	stream.indirect.gather [hbm4b:s2+s10], $0x40, s3, s10, $0xb8;
	[tilespmem:$0x17200] =	vst v63  }
0xc8: {  	_ =	swait.ge [sflag:s22], $0x2000  }
0xc9: {  	[sflag:s22] =	ssyncset.done $0x0  }
0xca: {  	[sflag:s22] =	ssyncadd.s32 $0xFFFFE000  }
0xcb: {  	_ =	swait.ge [sflag:s24], $0x2000  }
0xcc: {  	[sflag:s24] =	ssyncset.done $0x0  }
0xcd: {  	s7 =	sadd.s32 $0x2000, s6;
	[sflag:s24] =	ssyncadd.s32 $0xFFFFE000  }
0xce: {  	[hbm4b:s7+s31] =	stream.strided.scatter [tilespmem:s25], [sflag:$0xB], $0x2000, s10, s31, $0x38;
	[tilespmem:$0x17200] =	vst v63  }
0xcf: {  	_ =	swait.ge [sflag:s8], $0x2000  }
0xd0: {  	[sflag:s8] =	ssyncset.done $0x0  }
0xd1: {  	p0 =	sne.s32 s5, $0x16800;
	s7 =	sadd.s32 $0x2008, s6;
	[sflag:s8] =	ssyncadd.s32 $0xFFFFE000  }
0xd2: {  	[hbm4b:s7+s31] =	stream.strided.scatter [tilespmem:s28], [sflag:$0xB], $0x2000, s10, s31, $0x38;
	[tilespmem:$0x17200] =	vst v63  }
.Ltmp0:
0xd3: {  	_ = 	snop;
	(pc) =	sbr.rel @p0 .LBB2_2-.Ltmp0, $4  }
0xd4: {  	s5 =	sadd.s32 $0x2800, s5;
	s6 =	smin.u32 s9, $0x28;
	_ =	swait.ge [sflag:s8], $0x2000  }
0xd5: {  	s9 =	sadd.s32 $0x5, s9;
	s3 =	sshll.u32 s6, $0x7;
	[sflag:s8] =	ssyncset.done $0x0  }
0xd6: {  	s6 =	sadd.s32 $0x1D80, s3;
	s7 =	sadd.s32 $0x480, s3;
	[sflag:s8] =	ssyncadd.s32 $0xFFFFE000  }
0xd7: {  	[tilespmem:s25], [sflag:$0x5] =	stream.indirect.gather [hbm4b:s4+s10], $0x40, s7, s10, $0xb8;
	[tilespmem:$0x17200] =	vst v63  }
0xd8: {  	[tilespmem:s28], [sflag:$0xA] =	stream.indirect.gather [hbm4b:s2+s10], $0x40, s6, s10, $0xb8;
	[tilespmem:$0x17200] =	vst v63  }
0xd9: {  	_ =	swait.ge [sflag:s29], $0x2000  }
0xda: {  	[sflag:s29] =	ssyncset.done $0x0  }
0xdb: {  	[sflag:s29] =	ssyncadd.s32 $0xFFFFE000  }
0xdc: {  	_ =	swait.ge [sflag:s30], $0x2000  }
0xdd: {  	[sflag:s30] =	ssyncset.done $0x0  }
0xde: {  	[sflag:s30] =	ssyncadd.s32 $0xFFFFE000  }
0xdf: {  	_ =	swait.ge [sflag:s1], $0x2000  }
0xe0: {  	[sflag:s1] =	ssyncset.done $0x0  }
0xe1: {  	[sflag:s1] =	ssyncadd.s32 $0xFFFFE000  }
0xe2: {  	_ =	swait.ge [sflag:s0], $0x2000  }
0xe3: {  	[sflag:s0] =	ssyncset.done $0x0  }
0xe4: {  	[sflag:s0] =	ssyncadd.s32 $0xFFFFE000  }
0xe5: {  	_ =	swait.ge [sflag:s14], $0x2000  }
0xe6: {  	[sflag:s14] =	ssyncset.done $0x0  }
0xe7: {  	[sflag:s14] =	ssyncadd.s32 $0xFFFFE000  }
0xe8: {  	_ =	swait.ge [sflag:s16], $0x2000  }
0xe9: {  	[sflag:s16] =	ssyncset.done $0x0  }
0xea: {  	[sflag:s16] =	ssyncadd.s32 $0xFFFFE000  }
0xeb: {  	_ =	swait.ge [sflag:s18], $0x2000  }
0xec: {  	[sflag:s18] =	ssyncset.done $0x0  }
0xed: {  	[sflag:s18] =	ssyncadd.s32 $0xFFFFE000  }
0xee: {  	_ =	swait.ge [sflag:s20], $0x2000  }
0xef: {  	[sflag:s20] =	ssyncset.done $0x0  }
0xf0: {  	[sflag:s20] =	ssyncadd.s32 $0xFFFFE000  }
0xf1: {  	_ =	swait.ge [sflag:s22], $0x2000  }
0xf2: {  	[sflag:s22] =	ssyncset.done $0x0  }
0xf3: {  	[sflag:s22] =	ssyncadd.s32 $0xFFFFE000  }
0xf4: {  	_ =	swait.ge [sflag:s24], $0x2000  }
0xf5: {  	s26 =	sadd.s32 $0x1, s26;
	s3 =	rddreg [dreg:$0x6]  }
0xf6: {  	p0 =	sne.s32 s26, s3  }
.Ltmp1:
0xf7: {  	_ = 	snop;
	(pc) =	sbr.rel @p0 .LBB2_1-.Ltmp1, $3  }
0xf8: {  	_ =	sdelay $0x1  }
0xf9: {  	[sflag:s24] =	ssyncset.done $0x0  }
0xfa: {  	[sflag:s24] =	ssyncadd.s32 $0xFFFFE000  }
0xfb: {  	_ =	sfence.sel $0x180000  }
0xfc: {  	[bflag:$0x0] =	sbarrier.arrive $0xFFFF  }
0xfd: {  	_ =	strace $0x90000047  }
0xfe: {  	s0 =	stileid.u32;
	[bflag:$0x2] =	sbarrier.arrive $0xFFFF  }
0xff: {  	p0 =	sne.s32 s0, $0x0;
	s0 =	rddreg [dreg:$0x2]  }
0x100: {  	s0 =	sadd.s32 @!p0 $0x100000, s0  }
0x101: {  	[sflag:s0] =	ssyncadd.tile.s32 @!p0 $0x1;
	_ =	shalt  }
.Lfunc_end2:
_tile_overlayer_lowered:
.L_overlay_start_2:
0x102: {  	(tag) =	ssettag $0x2  }
0x103: {  	s0 =	rddreg [dreg:$0x0];
	s2 =	stileid.u32  }
0x104: {  	s1 =	rddreg [dreg:$0x1];
	p0 =	sne.s32 s2, $0x0  }
0x105: {  	s3 =	rddreg [dreg:$0x2];
	[bflag:$0x3] =	sbarrier.arrive $0xFFFF;
	s2 =	simm.s32 @!p0 $0x1C0B  }
0x106: {  	[timem:s3], [sflag:s2] =	dma.local @!p0 [hbm:s0], s1  }
0x107: {  	s0 =	simm.s32 @!p0 $0xB  }
0x108: {  	_ =	swait.ge @!p0 [sflag:s0], s1  }
0x109: {  	s1 =	ssub.s32 @!p0 $0x0, s1;
	[sflag:s0] =	ssyncset.done @!p0 $0x0  }
0x10a: {  	[sflag:s0] =	ssyncadd.s32 @!p0 s1  }
0x10b: {  	[bflag:$0x3] =	sbarrier.arrive $0xFFFF  }
0x10c: {  	_ =	shalt  }

</sc_bundles>
